<compile_context>
chip_gen: v7x
topology: tpu7x:2x2x1
jax: 0.10.2.dev20260603
libtpu: 0.0.44.dev20260713+nightly
codegen_flags: <defaults>
</compile_context>

<pallas_src>
import functools
import math

import jax
import jax.numpy as jnp
import numpy as np
from jax import lax
from jax.experimental import pallas as pl
from jax.experimental.pallas import tpu as pltpu
from jax.experimental.pallas import tpu_sc as plsc

N = 10000
E = 320000
F = 128
A = 16
B = 16
H = 64
C = 16

NC = 2
NS = 16
L = 16

EP = E // (NC * NS)
K = 80
NCHUNK = EP // K
NP = 10240
ROWS_PER_TILE = NP // NS

_INV_SQRT20 = 1.0 / math.sqrt(20.0)


def _edge_coeff_body(ea_ref, ee_ref, w1_ref, b1_ref, w2_ref, b2_ref, wp_ref,
                     out_ref):
    ee = ee_ref[...]
    h = jnp.dot(ee, w1_ref[...], preferred_element_type=jnp.float32)
    h = h + b1_ref[...]
    h = h * jax.nn.sigmoid(h)
    w = jnp.dot(h, w2_ref[...], preferred_element_type=jnp.float32)
    w = w + b2_ref[...]
    ea = jnp.dot(ea_ref[...], wp_ref[...], preferred_element_type=jnp.float32)
    out_ref[...] = ea * w


def _edge_coeff(edge_attr, edge_embedding, W_mlp1, b_mlp1, W_mlp2, b_mlp2,
                W_edge_proj):
    BE = 2000
    grid = (E // BE,)
    return pl.pallas_call(
        _edge_coeff_body,
        grid=grid,
        in_specs=[
            pl.BlockSpec((BE, A), lambda i: (i, 0)),
            pl.BlockSpec((BE, B), lambda i: (i, 0)),
            pl.BlockSpec((B, H), lambda i: (0, 0)),
            pl.BlockSpec((1, H), lambda i: (0, 0)),
            pl.BlockSpec((H, F), lambda i: (0, 0)),
            pl.BlockSpec((1, F), lambda i: (0, 0)),
            pl.BlockSpec((A, F), lambda i: (0, 0)),
        ],
        out_specs=pl.BlockSpec((BE, F), lambda i: (i, 0)),
        out_shape=jax.ShapeDtypeStruct((E, F), jnp.float32),
    )(edge_attr, edge_embedding, W_mlp1, b_mlp1.reshape(1, H),
      W_mlp2, b_mlp2.reshape(1, F), W_edge_proj)


def _sc_agg_body(x_hbm, src_hbm, dst_hbm, coeff_hbm, zeros_hbm, out_hbm,
                 src_v, dst_v, rows_v, coef_v, acc_sh, sem):
    cid = lax.axis_index("c")
    sid = lax.axis_index("s")
    r0 = sid * ROWS_PER_TILE
    pltpu.sync_copy(zeros_hbm.at[pl.ds(r0, ROWS_PER_TILE)],
                    acc_sh.at[pl.ds(r0, ROWS_PER_TILE)])
    plsc.subcore_barrier()

    wid = cid * NS + sid
    base0 = wid * EP

    def chunk_body(ci, carry):
        base = base0 + ci * K
        pltpu.sync_copy(src_hbm.at[pl.ds(base, K)], src_v)
        pltpu.sync_copy(dst_hbm.at[pl.ds(base, K)], dst_v)
        pltpu.sync_copy(coeff_hbm.at[pl.ds(base, K)], coef_v)
        pltpu.async_copy(x_hbm.at[src_v], rows_v, sem).wait()

        def mul_body(e, c2):
            for j in range(F // L):
                sl = pl.ds(j * L, L)
                rows_v[e, sl] = rows_v[e, sl] * coef_v[e, sl]
            return c2

        lax.fori_loop(0, K, mul_body, 0, unroll=2)
        pltpu.sync_copy(rows_v, acc_sh.at[dst_v], add=True)
        return carry

    lax.fori_loop(0, NCHUNK, chunk_body, 0)
    plsc.subcore_barrier()
    pltpu.sync_copy(acc_sh.at[pl.ds(r0, ROWS_PER_TILE)],
                    out_hbm.at[cid, pl.ds(r0, ROWS_PER_TILE)])


_sc_agg = functools.partial(
    pl.kernel,
    out_type=jax.ShapeDtypeStruct((NC, NP, F), jnp.float32),
    mesh=plsc.VectorSubcoreMesh(core_axis_name="c", subcore_axis_name="s"),
    scratch_types=[
        pltpu.VMEM((K,), jnp.int32),
        pltpu.VMEM((K,), jnp.int32),
        pltpu.VMEM((K, F), jnp.float32),
        pltpu.VMEM((K, F), jnp.float32),
        pltpu.VMEM_SHARED((NP, F), jnp.float32),
        pltpu.SemaphoreType.DMA,
    ],
)(_sc_agg_body)


def _post_body(parts_ref, x_ref, na_ref, wd_ref, wnu_ref, wl_ref, out_ref):
    agg = (parts_ref[0] + parts_ref[1]) * _INV_SQRT20
    lin = jnp.dot(agg, wd_ref[...], preferred_element_type=jnp.float32) + agg
    g = lin * jax.nn.sigmoid(lin)
    xb = x_ref[...]
    nab = na_ref[...]
    acc = g
    for c in range(C):
        acc = acc + nab[:, c][:, None] * jnp.dot(
            xb, wnu_ref[c], preferred_element_type=jnp.float32)
    out_ref[...] = jnp.dot(acc, wl_ref[...],
                           preferred_element_type=jnp.float32) + acc


def _post(parts, x, node_attr, W_dst, W_nu_r, W_last):
    BN = 1000
    grid = (N // BN,)
    return pl.pallas_call(
        _post_body,
        grid=grid,
        in_specs=[
            pl.BlockSpec((NC, BN, F), lambda i: (0, i, 0),),
            pl.BlockSpec((BN, F), lambda i: (i, 0)),
            pl.BlockSpec((BN, C), lambda i: (i, 0)),
            pl.BlockSpec((F, F), lambda i: (0, 0)),
            pl.BlockSpec((C, F, F), lambda i: (0, 0, 0)),
            pl.BlockSpec((F, F), lambda i: (0, 0)),
        ],
        out_specs=pl.BlockSpec((BN, F), lambda i: (i, 0)),
        out_shape=jax.ShapeDtypeStruct((N, F), jnp.float32),
    )(parts, x, node_attr, W_dst, W_nu_r, W_last)


def kernel(x, edge_index, edge_attr, edge_embedding, node_attr, W_mlp1,
           b_mlp1, W_mlp2, b_mlp2, W_edge_proj, W_dst, W_nu, W_last):
    src = edge_index[0].astype(jnp.int32)
    dst = edge_index[1].astype(jnp.int32)
    coeff = _edge_coeff(edge_attr, edge_embedding, W_mlp1, b_mlp1, W_mlp2,
                        b_mlp2, W_edge_proj)
    zeros = jnp.zeros((NP, F), jnp.float32)
    parts = _sc_agg(x, src, dst, coeff, zeros)
    W_nu_r = jnp.transpose(W_nu, (1, 0, 2))
    return _post(parts, x, node_attr, W_dst, W_nu_r, W_last)

# --- scband reference (transcript-rebuilt; emitter-appended) ---
"""Pipeline reference for scband-base-interaction-layer-75496935129748 (READ-ONLY COPY).

The authoritative reference and input builder live on the scoring server;
editing this copy changes nothing except your own understanding.
"""

import jax, jax.numpy as jnp
import numpy as np

N = 10000      # n_nodes
E = 320000     # n_edges
F = 128        # node feature dim (128x0e)
A = 16         # edge attr dim (16x0e)
B = 16         # radial basis / edge embedding dim (weight_neuron[0])
H = 64         # radial MLP hidden (weight_neuron[1])
C = 16         # node_attr_length


def setup_inputs(seed: int = 0) -> dict:
    key = jax.random.key(seed)
    ks = jax.random.split(key, 12)
    x = jax.random.normal(ks[0], (N, F), dtype=jnp.float32)
    edge_index = jax.random.randint(ks[1], (2, E), 0, N, dtype=jnp.int64)
    edge_attr = jax.random.normal(ks[2], (E, A), dtype=jnp.float32)
    edge_embedding = jax.random.normal(ks[3], (E, B), dtype=jnp.float32)
    node_attr = jax.random.normal(ks[4], (N, C), dtype=jnp.float32)
    # edge_weight FullyConnected ([B] + [H] + [weight_numel=F])
    W_mlp1 = jax.random.normal(ks[5], (B, H), dtype=jnp.float32) / np.sqrt(B)
    b_mlp1 = jnp.zeros((H,), dtype=jnp.float32)
    W_mlp2 = jax.random.normal(ks[6], (H, F), dtype=jnp.float32) / np.sqrt(H)
    b_mlp2 = jnp.zeros((F,), dtype=jnp.float32)
    # edge-attr path mixing of node_edge_tp (uvu instructions, A paths -> F channels)
    W_edge_proj = jax.random.normal(ks[7], (A, F), dtype=jnp.float32) / np.sqrt(A)
    # dst_feature_linear (MLPLayer, resnet=True)
    W_dst = jax.random.normal(ks[8], (F, F), dtype=jnp.float32) / np.sqrt(F)
    # node_update FullyConnectedTensorProduct(node_feats, node_attr) -> gate irreps
    W_nu = jax.random.normal(ks[9], (F, C, F), dtype=jnp.float32) / np.sqrt(F * C)
    # last_feature_linear (MLPLayer, resnet=True)
    W_last = jax.random.normal(ks[10], (F, F), dtype=jnp.float32) / np.sqrt(F)
    return {
        "x": x, "edge_index": edge_index, "edge_attr": edge_attr,
        "edge_embedding": edge_embedding, "node_attr": node_attr,
        "W_mlp1": W_mlp1, "b_mlp1": b_mlp1, "W_mlp2": W_mlp2, "b_mlp2": b_mlp2,
        "W_edge_proj": W_edge_proj, "W_dst": W_dst, "W_nu": W_nu, "W_last": W_last,
    }


def reference(x, edge_index, edge_attr, edge_embedding, node_attr,
              W_mlp1, b_mlp1, W_mlp2, b_mlp2, W_edge_proj, W_dst, W_nu, W_last):
    src = edge_index[0]
    dst = edge_index[1]
    # per-edge tensor-product weights from radial network (shared_weights=False)
    h = jax.nn.silu(edge_embedding @ W_mlp1 + b_mlp1)
    w = h @ W_mlp2 + b_mlp2                      # [E, F]
    # node_edge_tp: x[src] (x) edge_attr with external per-edge weights (uvu)
    ea = edge_attr @ W_edge_proj                 # [E, F] path-mixed edge attrs
    m = x[src] * ea * w                          # [E, F] messages (gather)
    # scatter-add aggregation over destination nodes, neighbor normalization
    agg = jax.ops.segment_sum(m, dst, num_segments=N) / (20.0 ** 0.5)
    # dst_feature_linear: netp_irreps_out -> gate_irreps_in (resnet=True)
    lin = agg @ W_dst + agg
    # gate: silu on scalar irreps
    gated = jax.nn.silu(lin)
    # resnet node_update: FullyConnectedTensorProduct(x, node_attr)
    nu = (x[:, :, None] * node_attr[:, None, :]).reshape(N, F * C) @ W_nu.reshape(F * C, F)
    out = gated + nu
    # last_feature_linear (resnet=True)
    out = out @ W_last + out
    return out

if __name__ == "__main__":
    import jax
    _d = setup_inputs()
    print(jax.jit(kernel)(*tuple(_d.values())))

</pallas_src>

<mosaic_0001>
#map = affine_map<(d0, d1) -> (0, 0)>
#map1 = affine_map<(d0, d1) -> (0)>
#map2 = affine_map<(d0, d1) -> (0, 0, 0)>
module attributes {stable_mosaic.version = 14 : i64} {
  func.func @_sc_agg_body(%arg0: i32, %arg1: i32, %arg2: memref<10000x128xf32, #tpu.memory_space<hbm>>, %arg3: memref<320000xi32, #tpu.memory_space<hbm>>, %arg4: memref<320000xi32, #tpu.memory_space<hbm>>, %arg5: memref<320000x128xf32, #tpu.memory_space<hbm>>, %arg6: memref<10240x128xf32, #tpu.memory_space<hbm>>, %arg7: memref<2x10240x128xf32, #tpu.memory_space<hbm>>, %arg8: memref<80xi32, #tpu.memory_space<vmem>>, %arg9: memref<80xi32, #tpu.memory_space<vmem>>, %arg10: memref<80x128xf32, #tpu.memory_space<vmem>>, %arg11: memref<80x128xf32, #tpu.memory_space<vmem>>, %arg12: memref<10240x128xf32, #tpu.memory_space<vmem_shared>>, %arg13: memref<!tpu.dma_semaphore, #tpu.memory_space<semaphore_mem>>) attributes {dimension_semantics = [#tpu.dimension_semantics<core_parallel>, #tpu.dimension_semantics<subcore_parallel>], iteration_bounds = array<i64: 2, 16>, scalar_prefetch = 0 : i64, scratch_operands = 6 : i64, tpu.core_type = #tpu.core_type<sc_vector_subcore>, window_params = [{transform_indices = #map}, {transform_indices = #map1}, {transform_indices = #map1}, {transform_indices = #map}, {transform_indices = #map}, {transform_indices = #map2}]} {
    %mul3A = arith.constant 640 : i32
    %mul3A_0 = arith.muli %arg1, %mul3A : i32
    "tpu.region"() ({
      %run_scoped3A = tpu.sem_alloc : memref<!tpu.dma_semaphore, #tpu.memory_space<semaphore_mem>>
      %dma_start3A = arith.constant 0 : i32
      %dma_start3A_11 = tpu.memref_slice %arg12[%mul3A_0, %dma_start3A] : memref<10240x128xf32, #tpu.memory_space<vmem_shared>> -> memref<640x128xf32, #tpu.memory_space<vmem_shared>>
      %dma_start3A_12 = arith.constant 0 : i32
      %dma_start3A_13 = tpu.memref_slice %arg6[%mul3A_0, %dma_start3A_12] : memref<10240x128xf32, #tpu.memory_space<hbm>> -> memref<640x128xf32, #tpu.memory_space<hbm>>
      tpu.enqueue_dma source(%dma_start3A_13 : memref<640x128xf32, #tpu.memory_space<hbm>>) target(%dma_start3A_11 : memref<640x128xf32, #tpu.memory_space<vmem_shared>>) target_semaphore(%run_scoped3A : memref<!tpu.dma_semaphore, #tpu.memory_space<semaphore_mem>>)
      %dma_wait3A = arith.constant 0 : i32
      %dma_wait3A_14 = tpu.memref_slice %arg12[%mul3A_0, %dma_wait3A] : memref<10240x128xf32, #tpu.memory_space<vmem_shared>> -> memref<640x128xf32, #tpu.memory_space<vmem_shared>>
      %dma_wait3A_15 = arith.constant 0 : i32
      %dma_wait3A_16 = tpu.memref_slice %arg6[%mul3A_0, %dma_wait3A_15] : memref<10240x128xf32, #tpu.memory_space<hbm>> -> memref<640x128xf32, #tpu.memory_space<hbm>>
      tpu.wait_dma2 semaphore(%run_scoped3A : memref<!tpu.dma_semaphore, #tpu.memory_space<semaphore_mem>>) src(%dma_wait3A_16 : memref<640x128xf32, #tpu.memory_space<hbm>>) dst(%dma_wait3A_14 : memref<640x128xf32, #tpu.memory_space<vmem_shared>>)
      tpu.yield
    }) : () -> ()
    %barrier3A = arith.constant 0 : index
    tpu.barrier barrier_id(%barrier3A)
    %mul3A_1 = arith.constant 16 : i32
    %mul3A_2 = arith.muli %arg0, %mul3A_1 : i32
    %add3A = arith.addi %mul3A_2, %arg1 : i32
    %mul3A_3 = arith.constant 10000 : i32
    %mul3A_4 = arith.muli %add3A, %mul3A_3 : i32
    %scan3A = arith.constant 0 : i32
    %scan3A_5 = arith.constant 0 : i32
    %scan3A_6 = arith.constant 125 : i32
    %scan3A_7 = arith.addi %scan3A_5, %scan3A_6 : i32
    %scan3A_8 = arith.constant 1 : i32
    scf.for %scan3A_11 = %scan3A_5 to %scan3A_7 step %scan3A_8  : i32 {
      %mul3A_12 = arith.constant 80 : i32
      %mul3A_13 = arith.muli %scan3A_11, %mul3A_12 : i32
      %add3A_14 = arith.addi %mul3A_4, %mul3A_13 : i32
      "tpu.region"() ({
        %run_scoped3A = tpu.sem_alloc : memref<!tpu.dma_semaphore, #tpu.memory_space<semaphore_mem>>
        %dma_start3A_25 = tpu.memref_slice %arg3[%add3A_14] : memref<320000xi32, #tpu.memory_space<hbm>> -> memref<80xi32, #tpu.memory_space<hbm>>
        %dma_start3A_26 = tpu.memref_slice %arg3[%add3A_14] : memref<320000xi32, #tpu.memory_space<hbm>> -> memref<80xi32, #tpu.memory_space<hbm>>
        tpu.enqueue_dma source(%dma_start3A_26 : memref<80xi32, #tpu.memory_space<hbm>>) target(%arg8 : memref<80xi32, #tpu.memory_space<vmem>>) target_semaphore(%run_scoped3A : memref<!tpu.dma_semaphore, #tpu.memory_space<semaphore_mem>>)
        %dma_wait3A_27 = tpu.memref_slice %arg3[%add3A_14] : memref<320000xi32, #tpu.memory_space<hbm>> -> memref<80xi32, #tpu.memory_space<hbm>>
        %dma_wait3A_28 = tpu.memref_slice %arg3[%add3A_14] : memref<320000xi32, #tpu.memory_space<hbm>> -> memref<80xi32, #tpu.memory_space<hbm>>
        tpu.wait_dma2 semaphore(%run_scoped3A : memref<!tpu.dma_semaphore, #tpu.memory_space<semaphore_mem>>) src(%dma_wait3A_28 : memref<80xi32, #tpu.memory_space<hbm>>) dst(%arg8 : memref<80xi32, #tpu.memory_space<vmem>>)
        tpu.yield
      }) : () -> ()
      "tpu.region"() ({
        %run_scoped3A = tpu.sem_alloc : memref<!tpu.dma_semaphore, #tpu.memory_space<semaphore_mem>>
        %dma_start3A_25 = tpu.memref_slice %arg4[%add3A_14] : memref<320000xi32, #tpu.memory_space<hbm>> -> memref<80xi32, #tpu.memory_space<hbm>>
        %dma_start3A_26 = tpu.memref_slice %arg4[%add3A_14] : memref<320000xi32, #tpu.memory_space<hbm>> -> memref<80xi32, #tpu.memory_space<hbm>>
        tpu.enqueue_dma source(%dma_start3A_26 : memref<80xi32, #tpu.memory_space<hbm>>) target(%arg9 : memref<80xi32, #tpu.memory_space<vmem>>) target_semaphore(%run_scoped3A : memref<!tpu.dma_semaphore, #tpu.memory_space<semaphore_mem>>)
        %dma_wait3A_27 = tpu.memref_slice %arg4[%add3A_14] : memref<320000xi32, #tpu.memory_space<hbm>> -> memref<80xi32, #tpu.memory_space<hbm>>
        %dma_wait3A_28 = tpu.memref_slice %arg4[%add3A_14] : memref<320000xi32, #tpu.memory_space<hbm>> -> memref<80xi32, #tpu.memory_space<hbm>>
        tpu.wait_dma2 semaphore(%run_scoped3A : memref<!tpu.dma_semaphore, #tpu.memory_space<semaphore_mem>>) src(%dma_wait3A_28 : memref<80xi32, #tpu.memory_space<hbm>>) dst(%arg9 : memref<80xi32, #tpu.memory_space<vmem>>)
        tpu.yield
      }) : () -> ()
      "tpu.region"() ({
        %run_scoped3A = tpu.sem_alloc : memref<!tpu.dma_semaphore, #tpu.memory_space<semaphore_mem>>
        %dma_start3A_25 = arith.constant 0 : i32
        %dma_start3A_26 = tpu.memref_slice %arg5[%add3A_14, %dma_start3A_25] : memref<320000x128xf32, #tpu.memory_space<hbm>> -> memref<80x128xf32, #tpu.memory_space<hbm>>
        %dma_start3A_27 = arith.constant 0 : i32
        %dma_start3A_28 = tpu.memref_slice %arg5[%add3A_14, %dma_start3A_27] : memref<320000x128xf32, #tpu.memory_space<hbm>> -> memref<80x128xf32, #tpu.memory_space<hbm>>
        tpu.enqueue_dma source(%dma_start3A_28 : memref<80x128xf32, #tpu.memory_space<hbm>>) target(%arg11 : memref<80x128xf32, #tpu.memory_space<vmem>>) target_semaphore(%run_scoped3A : memref<!tpu.dma_semaphore, #tpu.memory_space<semaphore_mem>>)
        %dma_wait3A_29 = arith.constant 0 : i32
        %dma_wait3A_30 = tpu.memref_slice %arg5[%add3A_14, %dma_wait3A_29] : memref<320000x128xf32, #tpu.memory_space<hbm>> -> memref<80x128xf32, #tpu.memory_space<hbm>>
        %dma_wait3A_31 = arith.constant 0 : i32
        %dma_wait3A_32 = tpu.memref_slice %arg5[%add3A_14, %dma_wait3A_31] : memref<320000x128xf32, #tpu.memory_space<hbm>> -> memref<80x128xf32, #tpu.memory_space<hbm>>
        tpu.wait_dma2 semaphore(%run_scoped3A : memref<!tpu.dma_semaphore, #tpu.memory_space<semaphore_mem>>) src(%dma_wait3A_32 : memref<80x128xf32, #tpu.memory_space<hbm>>) dst(%arg11 : memref<80x128xf32, #tpu.memory_space<vmem>>)
        tpu.yield
      }) : () -> ()
      %dma_start3A = arith.constant 0 : i32
      %dma_start3A_15 = arith.constant 0 : i32
      %dma_start3A_16 = tpu.memref_slice %arg2[%dma_start3A, %dma_start3A_15] : memref<10000x128xf32, #tpu.memory_space<hbm>> -> memref<10000x128xf32, #tpu.memory_space<hbm>>
      tpu.enqueue_indirect_dma source(%dma_start3A_16 : memref<10000x128xf32, #tpu.memory_space<hbm>>) target(%arg10 : memref<80x128xf32, #tpu.memory_space<vmem>>) offsets(%arg8 : memref<80xi32, #tpu.memory_space<vmem>>) semaphore(%arg13 : memref<!tpu.dma_semaphore, #tpu.memory_space<semaphore_mem>>)
      %dma_wait3A = arith.constant 0 : i32
      %dma_wait3A_17 = arith.constant 0 : i32
      %dma_wait3A_18 = tpu.memref_slice %arg2[%dma_wait3A, %dma_wait3A_17] : memref<10000x128xf32, #tpu.memory_space<hbm>> -> memref<10000x128xf32, #tpu.memory_space<hbm>>
      tpu.wait_indirect_dma semaphore(%arg13 : memref<!tpu.dma_semaphore, #tpu.memory_space<semaphore_mem>>) src(%dma_wait3A_18 : memref<10000x128xf32, #tpu.memory_space<hbm>>) dst(%arg10 : memref<80x128xf32, #tpu.memory_space<vmem>>)
      %scan3A_19 = arith.constant 0 : i32
      %scan3A_20 = arith.constant 0 : i32
      %scan3A_21 = arith.constant 80 : i32
      %scan3A_22 = arith.addi %scan3A_20, %scan3A_21 : i32
      %scan3A_23 = arith.constant 2 : i32
      scf.for %scan3A_25 = %scan3A_20 to %scan3A_22 step %scan3A_23  : i32 {
        %get3A = arith.index_cast %scan3A_25 : i32 to index
        %get3A_26 = arith.constant 0 : index
        %get3A_27 = tpu.vector_load %arg10[%get3A, %get3A_26] {strides = array<i32>} : memref<80x128xf32, #tpu.memory_space<vmem>>, vector<1x16xf32>,
        %get3A_28 = vector.shape_cast %get3A_27 : vector<1x16xf32> to vector<16xf32>
        %get3A_29 = arith.index_cast %scan3A_25 : i32 to index
        %get3A_30 = arith.constant 0 : index
        %get3A_31 = tpu.vector_load %arg11[%get3A_29, %get3A_30] {strides = array<i32>} : memref<80x128xf32, #tpu.memory_space<vmem>>, vector<1x16xf32>,
        %get3A_32 = vector.shape_cast %get3A_31 : vector<1x16xf32> to vector<16xf32>
        %mul3A_33 = arith.mulf %get3A_28, %get3A_32 : vector<16xf32>
        %swap3A = arith.index_cast %scan3A_25 : i32 to index
        %swap3A_34 = arith.constant 0 : index
        %swap3A_35 = tpu.vector_load %arg10[%swap3A, %swap3A_34] {strides = array<i32>} : memref<80x128xf32, #tpu.memory_space<vmem>>, vector<1x16xf32>,
        %swap3A_36 = vector.shape_cast %swap3A_35 : vector<1x16xf32> to vector<16xf32>
        %swap3A_37 = vector.shape_cast %mul3A_33 : vector<16xf32> to vector<1x16xf32>
        tpu.vector_store %arg10[%swap3A, %swap3A_34], %swap3A_37 {strides = array<i32>} : memref<80x128xf32, #tpu.memory_space<vmem>>, vector<1x16xf32>,
        %get3A_38 = arith.index_cast %scan3A_25 : i32 to index
        %get3A_39 = arith.constant 16 : index
        %get3A_40 = tpu.vector_load %arg10[%get3A_38, %get3A_39] {strides = array<i32>} : memref<80x128xf32, #tpu.memory_space<vmem>>, vector<1x16xf32>,
        %get3A_41 = vector.shape_cast %get3A_40 : vector<1x16xf32> to vector<16xf32>
        %get3A_42 = arith.index_cast %scan3A_25 : i32 to index
        %get3A_43 = arith.constant 16 : index
        %get3A_44 = tpu.vector_load %arg11[%get3A_42, %get3A_43] {strides = array<i32>} : memref<80x128xf32, #tpu.memory_space<vmem>>, vector<1x16xf32>,
        %get3A_45 = vector.shape_cast %get3A_44 : vector<1x16xf32> to vector<16xf32>
        %mul3A_46 = arith.mulf %get3A_41, %get3A_45 : vector<16xf32>
        %swap3A_47 = arith.index_cast %scan3A_25 : i32 to index
        %swap3A_48 = arith.constant 16 : index
        %swap3A_49 = tpu.vector_load %arg10[%swap3A_47, %swap3A_48] {strides = array<i32>} : memref<80x128xf32, #tpu.memory_space<vmem>>, vector<1x16xf32>,
        %swap3A_50 = vector.shape_cast %swap3A_49 : vector<1x16xf32> to vector<16xf32>
        %swap3A_51 = vector.shape_cast %mul3A_46 : vector<16xf32> to vector<1x16xf32>
        tpu.vector_store %arg10[%swap3A_47, %swap3A_48], %swap3A_51 {strides = array<i32>} : memref<80x128xf32, #tpu.memory_space<vmem>>, vector<1x16xf32>,
        %get3A_52 = arith.index_cast %scan3A_25 : i32 to index
        %get3A_53 = arith.constant 32 : index
        %get3A_54 = tpu.vector_load %arg10[%get3A_52, %get3A_53] {strides = array<i32>} : memref<80x128xf32, #tpu.memory_space<vmem>>, vector<1x16xf32>,
        %get3A_55 = vector.shape_cast %get3A_54 : vector<1x16xf32> to vector<16xf32>
        %get3A_56 = arith.index_cast %scan3A_25 : i32 to index
        %get3A_57 = arith.constant 32 : index
        %get3A_58 = tpu.vector_load %arg11[%get3A_56, %get3A_57] {strides = array<i32>} : memref<80x128xf32, #tpu.memory_space<vmem>>, vector<1x16xf32>,
        %get3A_59 = vector.shape_cast %get3A_58 : vector<1x16xf32> to vector<16xf32>
        %mul3A_60 = arith.mulf %get3A_55, %get3A_59 : vector<16xf32>
        %swap3A_61 = arith.index_cast %scan3A_25 : i32 to index
        %swap3A_62 = arith.constant 32 : index
        %swap3A_63 = tpu.vector_load %arg10[%swap3A_61, %swap3A_62] {strides = array<i32>} : memref<80x128xf32, #tpu.memory_space<vmem>>, vector<1x16xf32>,
        %swap3A_64 = vector.shape_cast %swap3A_63 : vector<1x16xf32> to vector<16xf32>
        %swap3A_65 = vector.shape_cast %mul3A_60 : vector<16xf32> to vector<1x16xf32>
        tpu.vector_store %arg10[%swap3A_61, %swap3A_62], %swap3A_65 {strides = array<i32>} : memref<80x128xf32, #tpu.memory_space<vmem>>, vector<1x16xf32>,
        %get3A_66 = arith.index_cast %scan3A_25 : i32 to index
        %get3A_67 = arith.constant 48 : index
        %get3A_68 = tpu.vector_load %arg10[%get3A_66, %get3A_67] {strides = array<i32>} : memref<80x128xf32, #tpu.memory_space<vmem>>, vector<1x16xf32>,
        %get3A_69 = vector.shape_cast %get3A_68 : vector<1x16xf32> to vector<16xf32>
        %get3A_70 = arith.index_cast %scan3A_25 : i32 to index
        %get3A_71 = arith.constant 48 : index
        %get3A_72 = tpu.vector_load %arg11[%get3A_70, %get3A_71] {strides = array<i32>} : memref<80x128xf32, #tpu.memory_space<vmem>>, vector<1x16xf32>,
        %get3A_73 = vector.shape_cast %get3A_72 : vector<1x16xf32> to vector<16xf32>
        %mul3A_74 = arith.mulf %get3A_69, %get3A_73 : vector<16xf32>
        %swap3A_75 = arith.index_cast %scan3A_25 : i32 to index
        %swap3A_76 = arith.constant 48 : index
        %swap3A_77 = tpu.vector_load %arg10[%swap3A_75, %swap3A_76] {strides = array<i32>} : memref<80x128xf32, #tpu.memory_space<vmem>>, vector<1x16xf32>,
        %swap3A_78 = vector.shape_cast %swap3A_77 : vector<1x16xf32> to vector<16xf32>
        %swap3A_79 = vector.shape_cast %mul3A_74 : vector<16xf32> to vector<1x16xf32>
        tpu.vector_store %arg10[%swap3A_75, %swap3A_76], %swap3A_79 {strides = array<i32>} : memref<80x128xf32, #tpu.memory_space<vmem>>, vector<1x16xf32>,
        %get3A_80 = arith.index_cast %scan3A_25 : i32 to index
        %get3A_81 = arith.constant 64 : index
        %get3A_82 = tpu.vector_load %arg10[%get3A_80, %get3A_81] {strides = array<i32>} : memref<80x128xf32, #tpu.memory_space<vmem>>, vector<1x16xf32>,
        %get3A_83 = vector.shape_cast %get3A_82 : vector<1x16xf32> to vector<16xf32>
        %get3A_84 = arith.index_cast %scan3A_25 : i32 to index
        %get3A_85 = arith.constant 64 : index
        %get3A_86 = tpu.vector_load %arg11[%get3A_84, %get3A_85] {strides = array<i32>} : memref<80x128xf32, #tpu.memory_space<vmem>>, vector<1x16xf32>,
        %get3A_87 = vector.shape_cast %get3A_86 : vector<1x16xf32> to vector<16xf32>
        %mul3A_88 = arith.mulf %get3A_83, %get3A_87 : vector<16xf32>
        %swap3A_89 = arith.index_cast %scan3A_25 : i32 to index
        %swap3A_90 = arith.constant 64 : index
        %swap3A_91 = tpu.vector_load %arg10[%swap3A_89, %swap3A_90] {strides = array<i32>} : memref<80x128xf32, #tpu.memory_space<vmem>>, vector<1x16xf32>,
        %swap3A_92 = vector.shape_cast %swap3A_91 : vector<1x16xf32> to vector<16xf32>
        %swap3A_93 = vector.shape_cast %mul3A_88 : vector<16xf32> to vector<1x16xf32>
        tpu.vector_store %arg10[%swap3A_89, %swap3A_90], %swap3A_93 {strides = array<i32>} : memref<80x128xf32, #tpu.memory_space<vmem>>, vector<1x16xf32>,
        %get3A_94 = arith.index_cast %scan3A_25 : i32 to index
        %get3A_95 = arith.constant 80 : index
        %get3A_96 = tpu.vector_load %arg10[%get3A_94, %get3A_95] {strides = array<i32>} : memref<80x128xf32, #tpu.memory_space<vmem>>, vector<1x16xf32>,
        %get3A_97 = vector.shape_cast %get3A_96 : vector<1x16xf32> to vector<16xf32>
        %get3A_98 = arith.index_cast %scan3A_25 : i32 to index
        %get3A_99 = arith.constant 80 : index
        %get3A_100 = tpu.vector_load %arg11[%get3A_98, %get3A_99] {strides = array<i32>} : memref<80x128xf32, #tpu.memory_space<vmem>>, vector<1x16xf32>,
        %get3A_101 = vector.shape_cast %get3A_100 : vector<1x16xf32> to vector<16xf32>
        %mul3A_102 = arith.mulf %get3A_97, %get3A_101 : vector<16xf32>
        %swap3A_103 = arith.index_cast %scan3A_25 : i32 to index
        %swap3A_104 = arith.constant 80 : index
        %swap3A_105 = tpu.vector_load %arg10[%swap3A_103, %swap3A_104] {strides = array<i32>} : memref<80x128xf32, #tpu.memory_space<vmem>>, vector<1x16xf32>,
        %swap3A_106 = vector.shape_cast %swap3A_105 : vector<1x16xf32> to vector<16xf32>
        %swap3A_107 = vector.shape_cast %mul3A_102 : vector<16xf32> to vector<1x16xf32>
        tpu.vector_store %arg10[%swap3A_103, %swap3A_104], %swap3A_107 {strides = array<i32>} : memref<80x128xf32, #tpu.memory_space<vmem>>, vector<1x16xf32>,
        %get3A_108 = arith.index_cast %scan3A_25 : i32 to index
        %get3A_109 = arith.constant 96 : index
        %get3A_110 = tpu.vector_load %arg10[%get3A_108, %get3A_109] {strides = array<i32>} : memref<80x128xf32, #tpu.memory_space<vmem>>, vector<1x16xf32>,
        %get3A_111 = vector.shape_cast %get3A_110 : vector<1x16xf32> to vector<16xf32>
        %get3A_112 = arith.index_cast %scan3A_25 : i32 to index
        %get3A_113 = arith.constant 96 : index
        %get3A_114 = tpu.vector_load %arg11[%get3A_112, %get3A_113] {strides = array<i32>} : memref<80x128xf32, #tpu.memory_space<vmem>>, vector<1x16xf32>,
        %get3A_115 = vector.shape_cast %get3A_114 : vector<1x16xf32> to vector<16xf32>
        %mul3A_116 = arith.mulf %get3A_111, %get3A_115 : vector<16xf32>
        %swap3A_117 = arith.index_cast %scan3A_25 : i32 to index
        %swap3A_118 = arith.constant 96 : index
        %swap3A_119 = tpu.vector_load %arg10[%swap3A_117, %swap3A_118] {strides = array<i32>} : memref<80x128xf32, #tpu.memory_space<vmem>>, vector<1x16xf32>,
        %swap3A_120 = vector.shape_cast %swap3A_119 : vector<1x16xf32> to vector<16xf32>
        %swap3A_121 = vector.shape_cast %mul3A_116 : vector<16xf32> to vector<1x16xf32>
        tpu.vector_store %arg10[%swap3A_117, %swap3A_118], %swap3A_121 {strides = array<i32>} : memref<80x128xf32, #tpu.memory_space<vmem>>, vector<1x16xf32>,
        %get3A_122 = arith.index_cast %scan3A_25 : i32 to index
        %get3A_123 = arith.constant 112 : index
        %get3A_124 = tpu.vector_load %arg10[%get3A_122, %get3A_123] {strides = array<i32>} : memref<80x128xf32, #tpu.memory_space<vmem>>, vector<1x16xf32>,
        %get3A_125 = vector.shape_cast %get3A_124 : vector<1x16xf32> to vector<16xf32>
        %get3A_126 = arith.index_cast %scan3A_25 : i32 to index
        %get3A_127 = arith.constant 112 : index
        %get3A_128 = tpu.vector_load %arg11[%get3A_126, %get3A_127] {strides = array<i32>} : memref<80x128xf32, #tpu.memory_space<vmem>>, vector<1x16xf32>,
        %get3A_129 = vector.shape_cast %get3A_128 : vector<1x16xf32> to vector<16xf32>
        %mul3A_130 = arith.mulf %get3A_125, %get3A_129 : vector<16xf32>
        %swap3A_131 = arith.index_cast %scan3A_25 : i32 to index
        %swap3A_132 = arith.constant 112 : index
        %swap3A_133 = tpu.vector_load %arg10[%swap3A_131, %swap3A_132] {strides = array<i32>} : memref<80x128xf32, #tpu.memory_space<vmem>>, vector<1x16xf32>,
        %swap3A_134 = vector.shape_cast %swap3A_133 : vector<1x16xf32> to vector<16xf32>
        %swap3A_135 = vector.shape_cast %mul3A_130 : vector<16xf32> to vector<1x16xf32>
        tpu.vector_store %arg10[%swap3A_131, %swap3A_132], %swap3A_135 {strides = array<i32>} : memref<80x128xf32, #tpu.memory_space<vmem>>, vector<1x16xf32>,
        %scan3A_136 = arith.constant 1 : i32
        %scan3A_137 = arith.addi %scan3A_25, %scan3A_136 : i32
        %get3A_138 = arith.index_cast %scan3A_137 : i32 to index
        %get3A_139 = arith.constant 0 : index
        %get3A_140 = tpu.vector_load %arg10[%get3A_138, %get3A_139] {strides = array<i32>} : memref<80x128xf32, #tpu.memory_space<vmem>>, vector<1x16xf32>,
        %get3A_141 = vector.shape_cast %get3A_140 : vector<1x16xf32> to vector<16xf32>
        %get3A_142 = arith.index_cast %scan3A_137 : i32 to index
        %get3A_143 = arith.constant 0 : index
        %get3A_144 = tpu.vector_load %arg11[%get3A_142, %get3A_143] {strides = array<i32>} : memref<80x128xf32, #tpu.memory_space<vmem>>, vector<1x16xf32>,
        %get3A_145 = vector.shape_cast %get3A_144 : vector<1x16xf32> to vector<16xf32>
        %mul3A_146 = arith.mulf %get3A_141, %get3A_145 : vector<16xf32>
        %swap3A_147 = arith.index_cast %scan3A_137 : i32 to index
        %swap3A_148 = arith.constant 0 : index
        %swap3A_149 = tpu.vector_load %arg10[%swap3A_147, %swap3A_148] {strides = array<i32>} : memref<80x128xf32, #tpu.memory_space<vmem>>, vector<1x16xf32>,
        %swap3A_150 = vector.shape_cast %swap3A_149 : vector<1x16xf32> to vector<16xf32>
        %swap3A_151 = vector.shape_cast %mul3A_146 : vector<16xf32> to vector<1x16xf32>
        tpu.vector_store %arg10[%swap3A_147, %swap3A_148], %swap3A_151 {strides = array<i32>} : memref<80x128xf32, #tpu.memory_space<vmem>>, vector<1x16xf32>,
        %get3A_152 = arith.index_cast %scan3A_137 : i32 to index
        %get3A_153 = arith.constant 16 : index
        %get3A_154 = tpu.vector_load %arg10[%get3A_152, %get3A_153] {strides = array<i32>} : memref<80x128xf32, #tpu.memory_space<vmem>>, vector<1x16xf32>,
        %get3A_155 = vector.shape_cast %get3A_154 : vector<1x16xf32> to vector<16xf32>
        %get3A_156 = arith.index_cast %scan3A_137 : i32 to index
        %get3A_157 = arith.constant 16 : index
        %get3A_158 = tpu.vector_load %arg11[%get3A_156, %get3A_157] {strides = array<i32>} : memref<80x128xf32, #tpu.memory_space<vmem>>, vector<1x16xf32>,
        %get3A_159 = vector.shape_cast %get3A_158 : vector<1x16xf32> to vector<16xf32>
        %mul3A_160 = arith.mulf %get3A_155, %get3A_159 : vector<16xf32>
        %swap3A_161 = arith.index_cast %scan3A_137 : i32 to index
        %swap3A_162 = arith.constant 16 : index
        %swap3A_163 = tpu.vector_load %arg10[%swap3A_161, %swap3A_162] {strides = array<i32>} : memref<80x128xf32, #tpu.memory_space<vmem>>, vector<1x16xf32>,
        %swap3A_164 = vector.shape_cast %swap3A_163 : vector<1x16xf32> to vector<16xf32>
        %swap3A_165 = vector.shape_cast %mul3A_160 : vector<16xf32> to vector<1x16xf32>
        tpu.vector_store %arg10[%swap3A_161, %swap3A_162], %swap3A_165 {strides = array<i32>} : memref<80x128xf32, #tpu.memory_space<vmem>>, vector<1x16xf32>,
        %get3A_166 = arith.index_cast %scan3A_137 : i32 to index
        %get3A_167 = arith.constant 32 : index
        %get3A_168 = tpu.vector_load %arg10[%get3A_166, %get3A_167] {strides = array<i32>} : memref<80x128xf32, #tpu.memory_space<vmem>>, vector<1x16xf32>,
        %get3A_169 = vector.shape_cast %get3A_168 : vector<1x16xf32> to vector<16xf32>
        %get3A_170 = arith.index_cast %scan3A_137 : i32 to index
        %get3A_171 = arith.constant 32 : index
        %get3A_172 = tpu.vector_load %arg11[%get3A_170, %get3A_171] {strides = array<i32>} : memref<80x128xf32, #tpu.memory_space<vmem>>, vector<1x16xf32>,
        %get3A_173 = vector.shape_cast %get3A_172 : vector<1x16xf32> to vector<16xf32>
        %mul3A_174 = arith.mulf %get3A_169, %get3A_173 : vector<16xf32>
        %swap3A_175 = arith.index_cast %scan3A_137 : i32 to index
        %swap3A_176 = arith.constant 32 : index
        %swap3A_177 = tpu.vector_load %arg10[%swap3A_175, %swap3A_176] {strides = array<i32>} : memref<80x128xf32, #tpu.memory_space<vmem>>, vector<1x16xf32>,
        %swap3A_178 = vector.shape_cast %swap3A_177 : vector<1x16xf32> to vector<16xf32>
        %swap3A_179 = vector.shape_cast %mul3A_174 : vector<16xf32> to vector<1x16xf32>
        tpu.vector_store %arg10[%swap3A_175, %swap3A_176], %swap3A_179 {strides = array<i32>} : memref<80x128xf32, #tpu.memory_space<vmem>>, vector<1x16xf32>,
        %get3A_180 = arith.index_cast %scan3A_137 : i32 to index
        %get3A_181 = arith.constant 48 : index
        %get3A_182 = tpu.vector_load %arg10[%get3A_180, %get3A_181] {strides = array<i32>} : memref<80x128xf32, #tpu.memory_space<vmem>>, vector<1x16xf32>,
        %get3A_183 = vector.shape_cast %get3A_182 : vector<1x16xf32> to vector<16xf32>
        %get3A_184 = arith.index_cast %scan3A_137 : i32 to index
        %get3A_185 = arith.constant 48 : index
        %get3A_186 = tpu.vector_load %arg11[%get3A_184, %get3A_185] {strides = array<i32>} : memref<80x128xf32, #tpu.memory_space<vmem>>, vector<1x16xf32>,
        %get3A_187 = vector.shape_cast %get3A_186 : vector<1x16xf32> to vector<16xf32>
        %mul3A_188 = arith.mulf %get3A_183, %get3A_187 : vector<16xf32>
        %swap3A_189 = arith.index_cast %scan3A_137 : i32 to index
        %swap3A_190 = arith.constant 48 : index
        %swap3A_191 = tpu.vector_load %arg10[%swap3A_189, %swap3A_190] {strides = array<i32>} : memref<80x128xf32, #tpu.memory_space<vmem>>, vector<1x16xf32>,
        %swap3A_192 = vector.shape_cast %swap3A_191 : vector<1x16xf32> to vector<16xf32>
        %swap3A_193 = vector.shape_cast %mul3A_188 : vector<16xf32> to vector<1x16xf32>
        tpu.vector_store %arg10[%swap3A_189, %swap3A_190], %swap3A_193 {strides = array<i32>} : memref<80x128xf32, #tpu.memory_space<vmem>>, vector<1x16xf32>,
        %get3A_194 = arith.index_cast %scan3A_137 : i32 to index
        %get3A_195 = arith.constant 64 : index
        %get3A_196 = tpu.vector_load %arg10[%get3A_194, %get3A_195] {strides = array<i32>} : memref<80x128xf32, #tpu.memory_space<vmem>>, vector<1x16xf32>,
        %get3A_197 = vector.shape_cast %get3A_196 : vector<1x16xf32> to vector<16xf32>
        %get3A_198 = arith.index_cast %scan3A_137 : i32 to index
        %get3A_199 = arith.constant 64 : index
        %get3A_200 = tpu.vector_load %arg11[%get3A_198, %get3A_199] {strides = array<i32>} : memref<80x128xf32, #tpu.memory_space<vmem>>, vector<1x16xf32>,
        %get3A_201 = vector.shape_cast %get3A_200 : vector<1x16xf32> to vector<16xf32>
        %mul3A_202 = arith.mulf %get3A_197, %get3A_201 : vector<16xf32>
        %swap3A_203 = arith.index_cast %scan3A_137 : i32 to index
        %swap3A_204 = arith.constant 64 : index
        %swap3A_205 = tpu.vector_load %arg10[%swap3A_203, %swap3A_204] {strides = array<i32>} : memref<80x128xf32, #tpu.memory_space<vmem>>, vector<1x16xf32>,
        %swap3A_206 = vector.shape_cast %swap3A_205 : vector<1x16xf32> to vector<16xf32>
        %swap3A_207 = vector.shape_cast %mul3A_202 : vector<16xf32> to vector<1x16xf32>
        tpu.vector_store %arg10[%swap3A_203, %swap3A_204], %swap3A_207 {strides = array<i32>} : memref<80x128xf32, #tpu.memory_space<vmem>>, vector<1x16xf32>,
        %get3A_208 = arith.index_cast %scan3A_137 : i32 to index
        %get3A_209 = arith.constant 80 : index
        %get3A_210 = tpu.vector_load %arg10[%get3A_208, %get3A_209] {strides = array<i32>} : memref<80x128xf32, #tpu.memory_space<vmem>>, vector<1x16xf32>,
        %get3A_211 = vector.shape_cast %get3A_210 : vector<1x16xf32> to vector<16xf32>
        %get3A_212 = arith.index_cast %scan3A_137 : i32 to index
        %get3A_213 = arith.constant 80 : index
        %get3A_214 = tpu.vector_load %arg11[%get3A_212, %get3A_213] {strides = array<i32>} : memref<80x128xf32, #tpu.memory_space<vmem>>, vector<1x16xf32>,
        %get3A_215 = vector.shape_cast %get3A_214 : vector<1x16xf32> to vector<16xf32>
        %mul3A_216 = arith.mulf %get3A_211, %get3A_215 : vector<16xf32>
        %swap3A_217 = arith.index_cast %scan3A_137 : i32 to index
        %swap3A_218 = arith.constant 80 : index
        %swap3A_219 = tpu.vector_load %arg10[%swap3A_217, %swap3A_218] {strides = array<i32>} : memref<80x128xf32, #tpu.memory_space<vmem>>, vector<1x16xf32>,
        %swap3A_220 = vector.shape_cast %swap3A_219 : vector<1x16xf32> to vector<16xf32>
        %swap3A_221 = vector.shape_cast %mul3A_216 : vector<16xf32> to vector<1x16xf32>
        tpu.vector_store %arg10[%swap3A_217, %swap3A_218], %swap3A_221 {strides = array<i32>} : memref<80x128xf32, #tpu.memory_space<vmem>>, vector<1x16xf32>,
        %get3A_222 = arith.index_cast %scan3A_137 : i32 to index
        %get3A_223 = arith.constant 96 : index
        %get3A_224 = tpu.vector_load %arg10[%get3A_222, %get3A_223] {strides = array<i32>} : memref<80x128xf32, #tpu.memory_space<vmem>>, vector<1x16xf32>,
        %get3A_225 = vector.shape_cast %get3A_224 : vector<1x16xf32> to vector<16xf32>
        %get3A_226 = arith.index_cast %scan3A_137 : i32 to index
        %get3A_227 = arith.constant 96 : index
        %get3A_228 = tpu.vector_load %arg11[%get3A_226, %get3A_227] {strides = array<i32>} : memref<80x128xf32, #tpu.memory_space<vmem>>, vector<1x16xf32>,
        %get3A_229 = vector.shape_cast %get3A_228 : vector<1x16xf32> to vector<16xf32>
        %mul3A_230 = arith.mulf %get3A_225, %get3A_229 : vector<16xf32>
        %swap3A_231 = arith.index_cast %scan3A_137 : i32 to index
        %swap3A_232 = arith.constant 96 : index
        %swap3A_233 = tpu.vector_load %arg10[%swap3A_231, %swap3A_232] {strides = array<i32>} : memref<80x128xf32, #tpu.memory_space<vmem>>, vector<1x16xf32>,
        %swap3A_234 = vector.shape_cast %swap3A_233 : vector<1x16xf32> to vector<16xf32>
        %swap3A_235 = vector.shape_cast %mul3A_230 : vector<16xf32> to vector<1x16xf32>
        tpu.vector_store %arg10[%swap3A_231, %swap3A_232], %swap3A_235 {strides = array<i32>} : memref<80x128xf32, #tpu.memory_space<vmem>>, vector<1x16xf32>,
        %get3A_236 = arith.index_cast %scan3A_137 : i32 to index
        %get3A_237 = arith.constant 112 : index
        %get3A_238 = tpu.vector_load %arg10[%get3A_236, %get3A_237] {strides = array<i32>} : memref<80x128xf32, #tpu.memory_space<vmem>>, vector<1x16xf32>,
        %get3A_239 = vector.shape_cast %get3A_238 : vector<1x16xf32> to vector<16xf32>
        %get3A_240 = arith.index_cast %scan3A_137 : i32 to index
        %get3A_241 = arith.constant 112 : index
        %get3A_242 = tpu.vector_load %arg11[%get3A_240, %get3A_241] {strides = array<i32>} : memref<80x128xf32, #tpu.memory_space<vmem>>, vector<1x16xf32>,
        %get3A_243 = vector.shape_cast %get3A_242 : vector<1x16xf32> to vector<16xf32>
        %mul3A_244 = arith.mulf %get3A_239, %get3A_243 : vector<16xf32>
        %swap3A_245 = arith.index_cast %scan3A_137 : i32 to index
        %swap3A_246 = arith.constant 112 : index
        %swap3A_247 = tpu.vector_load %arg10[%swap3A_245, %swap3A_246] {strides = array<i32>} : memref<80x128xf32, #tpu.memory_space<vmem>>, vector<1x16xf32>,
        %swap3A_248 = vector.shape_cast %swap3A_247 : vector<1x16xf32> to vector<16xf32>
        %swap3A_249 = vector.shape_cast %mul3A_244 : vector<16xf32> to vector<1x16xf32>
        tpu.vector_store %arg10[%swap3A_245, %swap3A_246], %swap3A_249 {strides = array<i32>} : memref<80x128xf32, #tpu.memory_space<vmem>>, vector<1x16xf32>,
      }
      %scan3A_24 = arith.constant 80 : i32
      "tpu.region"() ({
        %run_scoped3A = tpu.sem_alloc : memref<!tpu.dma_semaphore, #tpu.memory_space<semaphore_mem>>
        %dma_start3A_25 = arith.constant 0 : i32
        %dma_start3A_26 = arith.constant 0 : i32
        %dma_start3A_27 = tpu.memref_slice %arg12[%dma_start3A_25, %dma_start3A_26] : memref<10240x128xf32, #tpu.memory_space<vmem_shared>> -> memref<10240x128xf32, #tpu.memory_space<vmem_shared>>
        tpu.enqueue_indirect_dma source(%arg10 : memref<80x128xf32, #tpu.memory_space<vmem>>) target(%dma_start3A_27 : memref<10240x128xf32, #tpu.memory_space<vmem_shared>>) offsets(%arg9 : memref<80xi32, #tpu.memory_space<vmem>>) semaphore(%run_scoped3A : memref<!tpu.dma_semaphore, #tpu.memory_space<semaphore_mem>>) {add = true}
        %dma_wait3A_28 = arith.constant 0 : i32
        %dma_wait3A_29 = arith.constant 0 : i32
        %dma_wait3A_30 = tpu.memref_slice %arg12[%dma_wait3A_28, %dma_wait3A_29] : memref<10240x128xf32, #tpu.memory_space<vmem_shared>> -> memref<10240x128xf32, #tpu.memory_space<vmem_shared>>
        tpu.wait_indirect_dma semaphore(%run_scoped3A : memref<!tpu.dma_semaphore, #tpu.memory_space<semaphore_mem>>) src(%arg10 : memref<80x128xf32, #tpu.memory_space<vmem>>) dst(%dma_wait3A_30 : memref<10240x128xf32, #tpu.memory_space<vmem_shared>>)
        tpu.yield
      }) : () -> ()
    }
    %scan3A_9 = arith.constant 125 : i32
    %barrier3A_10 = arith.constant 0 : index
    tpu.barrier barrier_id(%barrier3A_10)
    "tpu.region"() ({
      %run_scoped3A = tpu.sem_alloc : memref<!tpu.dma_semaphore, #tpu.memory_space<semaphore_mem>>
      %dma_start3A = arith.constant 0 : i32
      %dma_start3A_11 = tpu.memref_slice %arg7[%arg0, %mul3A_0, %dma_start3A] : memref<2x10240x128xf32, #tpu.memory_space<hbm>> -> memref<1x640x128xf32, #tpu.memory_space<hbm>>
      %dma_start3A_12 = tpu.memref_squeeze %dma_start3A_11 : memref<1x640x128xf32, #tpu.memory_space<hbm>> -> memref<640x128xf32, #tpu.memory_space<hbm>>
      %dma_start3A_13 = arith.constant 0 : i32
      %dma_start3A_14 = tpu.memref_slice %arg12[%mul3A_0, %dma_start3A_13] : memref<10240x128xf32, #tpu.memory_space<vmem_shared>> -> memref<640x128xf32, #tpu.memory_space<vmem_shared>>
      tpu.enqueue_dma source(%dma_start3A_14 : memref<640x128xf32, #tpu.memory_space<vmem_shared>>) target(%dma_start3A_12 : memref<640x128xf32, #tpu.memory_space<hbm>>) target_semaphore(%run_scoped3A : memref<!tpu.dma_semaphore, #tpu.memory_space<semaphore_mem>>)
      %dma_wait3A = arith.constant 0 : i32
      %dma_wait3A_15 = tpu.memref_slice %arg7[%arg0, %mul3A_0, %dma_wait3A] : memref<2x10240x128xf32, #tpu.memory_space<hbm>> -> memref<1x640x128xf32, #tpu.memory_space<hbm>>
      %dma_wait3A_16 = tpu.memref_squeeze %dma_wait3A_15 : memref<1x640x128xf32, #tpu.memory_space<hbm>> -> memref<640x128xf32, #tpu.memory_space<hbm>>
      %dma_wait3A_17 = arith.constant 0 : i32
      %dma_wait3A_18 = tpu.memref_slice %arg12[%mul3A_0, %dma_wait3A_17] : memref<10240x128xf32, #tpu.memory_space<vmem_shared>> -> memref<640x128xf32, #tpu.memory_space<vmem_shared>>
      tpu.wait_dma2 semaphore(%run_scoped3A : memref<!tpu.dma_semaphore, #tpu.memory_space<semaphore_mem>>) src(%dma_wait3A_18 : memref<640x128xf32, #tpu.memory_space<vmem_shared>>) dst(%dma_wait3A_16 : memref<640x128xf32, #tpu.memory_space<hbm>>)
      tpu.yield
    }) : () -> ()
    return
  }
}

module attributes {stable_mosaic.version = 14 : i64} {
  func.func @_edge_coeff_body(%arg0: i32, %arg1: memref<2000x16xf32, #tpu.memory_space<vmem>>, %arg2: memref<2000x16xf32, #tpu.memory_space<vmem>>, %arg3: memref<16x64xf32, #tpu.memory_space<vmem>>, %arg4: memref<1x64xf32, #tpu.memory_space<vmem>>, %arg5: memref<64x128xf32, #tpu.memory_space<vmem>>, %arg6: memref<1x128xf32, #tpu.memory_space<vmem>>, %arg7: memref<16x128xf32, #tpu.memory_space<vmem>>, %arg8: memref<2000x128xf32, #tpu.memory_space<vmem>>) attributes {dimension_semantics = [#tpu.dimension_semantics<arbitrary>], iteration_bounds = array<i64: 160>, scalar_prefetch = 0 : i64, scratch_operands = 0 : i64, tpu.core_type = #tpu.core_type<tc>, window_params = [{transform_indices = @transform_0, window_bounds = array<i64: 2000, 16>}, {transform_indices = @transform_1, window_bounds = array<i64: 2000, 16>}, {pipeline_mode = #tpu.pipeline_mode<synchronous>, transform_indices = @transform_2, window_bounds = array<i64: 16, 64>}, {pipeline_mode = #tpu.pipeline_mode<synchronous>, transform_indices = @transform_3, window_bounds = array<i64: 1, 64>}, {pipeline_mode = #tpu.pipeline_mode<synchronous>, transform_indices = @transform_4, window_bounds = array<i64: 64, 128>}, {pipeline_mode = #tpu.pipeline_mode<synchronous>, transform_indices = @transform_5, window_bounds = array<i64: 1, 128>}, {pipeline_mode = #tpu.pipeline_mode<synchronous>, transform_indices = @transform_6, window_bounds = array<i64: 16, 128>}, {transform_indices = @transform_7, window_bounds = array<i64: 2000, 128>}]} {
    %get3A = arith.constant 0 : index
    %get3A_0 = arith.constant 0 : index
    %get3A_1 = vector.load %arg2[%get3A, %get3A_0] : memref<2000x16xf32, #tpu.memory_space<vmem>>, vector<2000x16xf32>
    %get3A_2 = arith.constant 0 : index
    %get3A_3 = arith.constant 0 : index
    %get3A_4 = vector.load %arg3[%get3A_2, %get3A_3] : memref<16x64xf32, #tpu.memory_space<vmem>>, vector<16x64xf32>
    %dot_general3A = arith.constant dense<0.000000e+00> : vector<2000x64xf32>
    %dot_general3A_5 = tpu.matmul %get3A_1, %get3A_4, %dot_general3A {dimension_numbers = #tpu.dot_dimension_numbers<[1], [0], [0], [1], [0, 0, 1, 1], [], []>, transpose_lhs_hint = false} : vector<2000x16xf32>, vector<16x64xf32>, vector<2000x64xf32> -> vector<2000x64xf32>
    %get3A_6 = arith.constant 0 : index
    %get3A_7 = arith.constant 0 : index
    %get3A_8 = vector.load %arg4[%get3A_6, %get3A_7] : memref<1x64xf32, #tpu.memory_space<vmem>>, vector<1x64xf32>
    %add3A = vector.broadcast %get3A_8 : vector<1x64xf32> to vector<2000x64xf32>
    %add3A_9 = arith.addf %dot_general3A_5, %add3A : vector<2000x64xf32>
    %logistic3A = arith.negf %add3A_9 : vector<2000x64xf32>
    %logistic3A_10 = math.exp %logistic3A : vector<2000x64xf32>
    %logistic3A_11 = arith.constant 1.000000e+00 : f32
    %logistic3A_12 = vector.broadcast %logistic3A_11 : f32 to vector<2000x64xf32>
    %logistic3A_13 = arith.addf %logistic3A_12, %logistic3A_10 : vector<2000x64xf32>
    %logistic3A_14 = arith.divf %logistic3A_12, %logistic3A_13 : vector<2000x64xf32>
    %mul3A = arith.mulf %add3A_9, %logistic3A_14 : vector<2000x64xf32>
    %get3A_15 = arith.constant 0 : index
    %get3A_16 = arith.constant 0 : index
    %get3A_17 = vector.load %arg5[%get3A_15, %get3A_16] : memref<64x128xf32, #tpu.memory_space<vmem>>, vector<64x128xf32>
    %dot_general3A_18 = arith.constant dense<0.000000e+00> : vector<2000x128xf32>
    %dot_general3A_19 = tpu.matmul %mul3A, %get3A_17, %dot_general3A_18 {dimension_numbers = #tpu.dot_dimension_numbers<[1], [0], [0], [1], [0, 0, 1, 1], [], []>, transpose_lhs_hint = false} : vector<2000x64xf32>, vector<64x128xf32>, vector<2000x128xf32> -> vector<2000x128xf32>
    %get3A_20 = arith.constant 0 : index
    %get3A_21 = arith.constant 0 : index
    %get3A_22 = vector.load %arg6[%get3A_20, %get3A_21] : memref<1x128xf32, #tpu.memory_space<vmem>>, vector<1x128xf32>
    %add3A_23 = vector.broadcast %get3A_22 : vector<1x128xf32> to vector<2000x128xf32>
    %add3A_24 = arith.addf %dot_general3A_19, %add3A_23 : vector<2000x128xf32>
    %get3A_25 = arith.constant 0 : index
    %get3A_26 = arith.constant 0 : index
    %get3A_27 = vector.load %arg1[%get3A_25, %get3A_26] : memref<2000x16xf32, #tpu.memory_space<vmem>>, vector<2000x16xf32>
    %get3A_28 = arith.constant 0 : index
    %get3A_29 = arith.constant 0 : index
    %get3A_30 = vector.load %arg7[%get3A_28, %get3A_29] : memref<16x128xf32, #tpu.memory_space<vmem>>, vector<16x128xf32>
    %dot_general3A_31 = arith.constant dense<0.000000e+00> : vector<2000x128xf32>
    %dot_general3A_32 = tpu.matmul %get3A_27, %get3A_30, %dot_general3A_31 {dimension_numbers = #tpu.dot_dimension_numbers<[1], [0], [0], [1], [0, 0, 1, 1], [], []>, transpose_lhs_hint = false} : vector<2000x16xf32>, vector<16x128xf32>, vector<2000x128xf32> -> vector<2000x128xf32>
    %mul3A_33 = arith.mulf %dot_general3A_32, %add3A_24 : vector<2000x128xf32>
    %swap3A = arith.constant 0 : index
    %swap3A_34 = arith.constant 0 : index
    %swap3A_35 = vector.load %arg8[%swap3A, %swap3A_34] : memref<2000x128xf32, #tpu.memory_space<vmem>>, vector<2000x128xf32>
    tpu.vector_store %arg8[%swap3A, %swap3A_34], %mul3A_33 {strides = array<i32>} : memref<2000x128xf32, #tpu.memory_space<vmem>>, vector<2000x128xf32>,
    return
  }
  func.func @transform_0(%arg0: i32) -> (i32, i32) {
    %c0_i32 = arith.constant 0 : i32
    %c0_i32_0 = arith.constant 0 : i32
    return %arg0, %c0_i32 : i32, i32
  }
  func.func @transform_1(%arg0: i32) -> (i32, i32) {
    %c0_i32 = arith.constant 0 : i32
    %c0_i32_0 = arith.constant 0 : i32
    return %arg0, %c0_i32 : i32, i32
  }
  func.func @transform_2(%arg0: i32) -> (i32, i32) {
    %c0_i32 = arith.constant 0 : i32
    %c0_i32_0 = arith.constant 0 : i32
    %c0_i32_1 = arith.constant 0 : i32
    return %c0_i32, %c0_i32_0 : i32, i32
  }
  func.func @transform_3(%arg0: i32) -> (i32, i32) {
    %c0_i32 = arith.constant 0 : i32
    %c0_i32_0 = arith.constant 0 : i32
    %c0_i32_1 = arith.constant 0 : i32
    return %c0_i32, %c0_i32_0 : i32, i32
  }
  func.func @transform_4(%arg0: i32) -> (i32, i32) {
    %c0_i32 = arith.constant 0 : i32
    %c0_i32_0 = arith.constant 0 : i32
    %c0_i32_1 = arith.constant 0 : i32
    return %c0_i32, %c0_i32_0 : i32, i32
  }
  func.func @transform_5(%arg0: i32) -> (i32, i32) {
    %c0_i32 = arith.constant 0 : i32
    %c0_i32_0 = arith.constant 0 : i32
    %c0_i32_1 = arith.constant 0 : i32
    return %c0_i32, %c0_i32_0 : i32, i32
  }
  func.func @transform_6(%arg0: i32) -> (i32, i32) {
    %c0_i32 = arith.constant 0 : i32
    %c0_i32_0 = arith.constant 0 : i32
    %c0_i32_1 = arith.constant 0 : i32
    return %c0_i32, %c0_i32_0 : i32, i32
  }
  func.func @transform_7(%arg0: i32) -> (i32, i32) {
    %c0_i32 = arith.constant 0 : i32
    %c0_i32_0 = arith.constant 0 : i32
    return %arg0, %c0_i32 : i32, i32
  }
}

module attributes {stable_mosaic.version = 14 : i64} {
  func.func @_post_body(%arg0: i32, %arg1: memref<2x1000x128xf32, #tpu.memory_space<vmem>>, %arg2: memref<1000x128xf32, #tpu.memory_space<vmem>>, %arg3: memref<1000x16xf32, #tpu.memory_space<vmem>>, %arg4: memref<128x128xf32, #tpu.memory_space<vmem>>, %arg5: memref<16x128x128xf32, #tpu.memory_space<vmem>>, %arg6: memref<128x128xf32, #tpu.memory_space<vmem>>, %arg7: memref<1000x128xf32, #tpu.memory_space<vmem>>) attributes {dimension_semantics = [#tpu.dimension_semantics<arbitrary>], iteration_bounds = array<i64: 10>, scalar_prefetch = 0 : i64, scratch_operands = 0 : i64, tpu.core_type = #tpu.core_type<tc>, window_params = [{transform_indices = @transform_0, window_bounds = array<i64: 2, 1000, 128>}, {transform_indices = @transform_1, window_bounds = array<i64: 1000, 128>}, {transform_indices = @transform_2, window_bounds = array<i64: 1000, 16>}, {pipeline_mode = #tpu.pipeline_mode<synchronous>, transform_indices = @transform_3, window_bounds = array<i64: 128, 128>}, {pipeline_mode = #tpu.pipeline_mode<synchronous>, transform_indices = @transform_4, window_bounds = array<i64: 16, 128, 128>}, {pipeline_mode = #tpu.pipeline_mode<synchronous>, transform_indices = @transform_5, window_bounds = array<i64: 128, 128>}, {transform_indices = @transform_6, window_bounds = array<i64: 1000, 128>}]} {
    %get3A = arith.constant 0 : index
    %get3A_0 = arith.constant 0 : index
    %get3A_1 = arith.constant 0 : index
    %get3A_2 = vector.load %arg1[%get3A, %get3A_0, %get3A_1] : memref<2x1000x128xf32, #tpu.memory_space<vmem>>, vector<1x1000x128xf32>
    %get3A_3 = vector.shape_cast %get3A_2 : vector<1x1000x128xf32> to vector<1000x128xf32>
    %get3A_4 = arith.constant 1 : index
    %get3A_5 = arith.constant 0 : index
    %get3A_6 = arith.constant 0 : index
    %get3A_7 = vector.load %arg1[%get3A_4, %get3A_5, %get3A_6] : memref<2x1000x128xf32, #tpu.memory_space<vmem>>, vector<1x1000x128xf32>
    %get3A_8 = vector.shape_cast %get3A_7 : vector<1x1000x128xf32> to vector<1000x128xf32>
    %add3A = arith.addf %get3A_3, %get3A_8 : vector<1000x128xf32>
    %mul3A = arith.constant 0.223606795 : f32
    %mul3A_9 = vector.broadcast %mul3A : f32 to vector<1000x128xf32>
    %mul3A_10 = arith.mulf %add3A, %mul3A_9 : vector<1000x128xf32>
    %get3A_11 = arith.constant 0 : index
    %get3A_12 = arith.constant 0 : index
    %get3A_13 = vector.load %arg4[%get3A_11, %get3A_12] : memref<128x128xf32, #tpu.memory_space<vmem>>, vector<128x128xf32>
    %dot_general3A = arith.constant dense<0.000000e+00> : vector<1000x128xf32>
    %dot_general3A_14 = tpu.matmul %mul3A_10, %get3A_13, %dot_general3A {dimension_numbers = #tpu.dot_dimension_numbers<[1], [0], [0], [1], [0, 0, 1, 1], [], []>, transpose_lhs_hint = false} : vector<1000x128xf32>, vector<128x128xf32>, vector<1000x128xf32> -> vector<1000x128xf32>
    %add3A_15 = arith.addf %dot_general3A_14, %mul3A_10 : vector<1000x128xf32>
    %logistic3A = arith.negf %add3A_15 : vector<1000x128xf32>
    %logistic3A_16 = math.exp %logistic3A : vector<1000x128xf32>
    %logistic3A_17 = arith.constant 1.000000e+00 : f32
    %logistic3A_18 = vector.broadcast %logistic3A_17 : f32 to vector<1000x128xf32>
    %logistic3A_19 = arith.addf %logistic3A_18, %logistic3A_16 : vector<1000x128xf32>
    %logistic3A_20 = arith.divf %logistic3A_18, %logistic3A_19 : vector<1000x128xf32>
    %mul3A_21 = arith.mulf %add3A_15, %logistic3A_20 : vector<1000x128xf32>
    %get3A_22 = arith.constant 0 : index
    %get3A_23 = arith.constant 0 : index
    %get3A_24 = vector.load %arg2[%get3A_22, %get3A_23] : memref<1000x128xf32, #tpu.memory_space<vmem>>, vector<1000x128xf32>
    %get3A_25 = arith.constant 0 : index
    %get3A_26 = arith.constant 0 : index
    %get3A_27 = vector.load %arg3[%get3A_25, %get3A_26] : memref<1000x16xf32, #tpu.memory_space<vmem>>, vector<1000x16xf32>
    %slice3A = vector.extract_strided_slice %get3A_27 {offsets = [0, 0], sizes = [1000, 1], strides = [1, 1]} : vector<1000x16xf32> to vector<1000x1xf32>
    %squeeze3A = vector.shape_cast %slice3A : vector<1000x1xf32> to vector<1000xf32>
    %broadcast_in_dim3A = vector.shape_cast %squeeze3A : vector<1000xf32> to vector<1000x1xf32>
    %get3A_28 = arith.constant 0 : index
    %get3A_29 = arith.constant 0 : index
    %get3A_30 = arith.constant 0 : index
    %get3A_31 = vector.load %arg5[%get3A_28, %get3A_29, %get3A_30] : memref<16x128x128xf32, #tpu.memory_space<vmem>>, vector<1x128x128xf32>
    %get3A_32 = vector.shape_cast %get3A_31 : vector<1x128x128xf32> to vector<128x128xf32>
    %dot_general3A_33 = arith.constant dense<0.000000e+00> : vector<1000x128xf32>
    %dot_general3A_34 = tpu.matmul %get3A_24, %get3A_32, %dot_general3A_33 {dimension_numbers = #tpu.dot_dimension_numbers<[1], [0], [0], [1], [0, 0, 1, 1], [], []>, transpose_lhs_hint = false} : vector<1000x128xf32>, vector<128x128xf32>, vector<1000x128xf32> -> vector<1000x128xf32>
    %mul3A_35 = vector.broadcast %broadcast_in_dim3A : vector<1000x1xf32> to vector<1000x128xf32>
    %mul3A_36 = arith.mulf %mul3A_35, %dot_general3A_34 : vector<1000x128xf32>
    %add3A_37 = arith.addf %mul3A_21, %mul3A_36 : vector<1000x128xf32>
    %slice3A_38 = vector.extract_strided_slice %get3A_27 {offsets = [0, 1], sizes = [1000, 1], strides = [1, 1]} : vector<1000x16xf32> to vector<1000x1xf32>
    %squeeze3A_39 = vector.shape_cast %slice3A_38 : vector<1000x1xf32> to vector<1000xf32>
    %broadcast_in_dim3A_40 = vector.shape_cast %squeeze3A_39 : vector<1000xf32> to vector<1000x1xf32>
    %get3A_41 = arith.constant 1 : index
    %get3A_42 = arith.constant 0 : index
    %get3A_43 = arith.constant 0 : index
    %get3A_44 = vector.load %arg5[%get3A_41, %get3A_42, %get3A_43] : memref<16x128x128xf32, #tpu.memory_space<vmem>>, vector<1x128x128xf32>
    %get3A_45 = vector.shape_cast %get3A_44 : vector<1x128x128xf32> to vector<128x128xf32>
    %dot_general3A_46 = arith.constant dense<0.000000e+00> : vector<1000x128xf32>
    %dot_general3A_47 = tpu.matmul %get3A_24, %get3A_45, %dot_general3A_46 {dimension_numbers = #tpu.dot_dimension_numbers<[1], [0], [0], [1], [0, 0, 1, 1], [], []>, transpose_lhs_hint = false} : vector<1000x128xf32>, vector<128x128xf32>, vector<1000x128xf32> -> vector<1000x128xf32>
    %mul3A_48 = vector.broadcast %broadcast_in_dim3A_40 : vector<1000x1xf32> to vector<1000x128xf32>
    %mul3A_49 = arith.mulf %mul3A_48, %dot_general3A_47 : vector<1000x128xf32>
    %add3A_50 = arith.addf %add3A_37, %mul3A_49 : vector<1000x128xf32>
    %slice3A_51 = vector.extract_strided_slice %get3A_27 {offsets = [0, 2], sizes = [1000, 1], strides = [1, 1]} : vector<1000x16xf32> to vector<1000x1xf32>
    %squeeze3A_52 = vector.shape_cast %slice3A_51 : vector<1000x1xf32> to vector<1000xf32>
    %broadcast_in_dim3A_53 = vector.shape_cast %squeeze3A_52 : vector<1000xf32> to vector<1000x1xf32>
    %get3A_54 = arith.constant 2 : index
    %get3A_55 = arith.constant 0 : index
    %get3A_56 = arith.constant 0 : index
    %get3A_57 = vector.load %arg5[%get3A_54, %get3A_55, %get3A_56] : memref<16x128x128xf32, #tpu.memory_space<vmem>>, vector<1x128x128xf32>
    %get3A_58 = vector.shape_cast %get3A_57 : vector<1x128x128xf32> to vector<128x128xf32>
    %dot_general3A_59 = arith.constant dense<0.000000e+00> : vector<1000x128xf32>
    %dot_general3A_60 = tpu.matmul %get3A_24, %get3A_58, %dot_general3A_59 {dimension_numbers = #tpu.dot_dimension_numbers<[1], [0], [0], [1], [0, 0, 1, 1], [], []>, transpose_lhs_hint = false} : vector<1000x128xf32>, vector<128x128xf32>, vector<1000x128xf32> -> vector<1000x128xf32>
    %mul3A_61 = vector.broadcast %broadcast_in_dim3A_53 : vector<1000x1xf32> to vector<1000x128xf32>
    %mul3A_62 = arith.mulf %mul3A_61, %dot_general3A_60 : vector<1000x128xf32>
    %add3A_63 = arith.addf %add3A_50, %mul3A_62 : vector<1000x128xf32>
    %slice3A_64 = vector.extract_strided_slice %get3A_27 {offsets = [0, 3], sizes = [1000, 1], strides = [1, 1]} : vector<1000x16xf32> to vector<1000x1xf32>
    %squeeze3A_65 = vector.shape_cast %slice3A_64 : vector<1000x1xf32> to vector<1000xf32>
    %broadcast_in_dim3A_66 = vector.shape_cast %squeeze3A_65 : vector<1000xf32> to vector<1000x1xf32>
    %get3A_67 = arith.constant 3 : index
    %get3A_68 = arith.constant 0 : index
    %get3A_69 = arith.constant 0 : index
    %get3A_70 = vector.load %arg5[%get3A_67, %get3A_68, %get3A_69] : memref<16x128x128xf32, #tpu.memory_space<vmem>>, vector<1x128x128xf32>
    %get3A_71 = vector.shape_cast %get3A_70 : vector<1x128x128xf32> to vector<128x128xf32>
    %dot_general3A_72 = arith.constant dense<0.000000e+00> : vector<1000x128xf32>
    %dot_general3A_73 = tpu.matmul %get3A_24, %get3A_71, %dot_general3A_72 {dimension_numbers = #tpu.dot_dimension_numbers<[1], [0], [0], [1], [0, 0, 1, 1], [], []>, transpose_lhs_hint = false} : vector<1000x128xf32>, vector<128x128xf32>, vector<1000x128xf32> -> vector<1000x128xf32>
    %mul3A_74 = vector.broadcast %broadcast_in_dim3A_66 : vector<1000x1xf32> to vector<1000x128xf32>
    %mul3A_75 = arith.mulf %mul3A_74, %dot_general3A_73 : vector<1000x128xf32>
    %add3A_76 = arith.addf %add3A_63, %mul3A_75 : vector<1000x128xf32>
    %slice3A_77 = vector.extract_strided_slice %get3A_27 {offsets = [0, 4], sizes = [1000, 1], strides = [1, 1]} : vector<1000x16xf32> to vector<1000x1xf32>
    %squeeze3A_78 = vector.shape_cast %slice3A_77 : vector<1000x1xf32> to vector<1000xf32>
    %broadcast_in_dim3A_79 = vector.shape_cast %squeeze3A_78 : vector<1000xf32> to vector<1000x1xf32>
    %get3A_80 = arith.constant 4 : index
    %get3A_81 = arith.constant 0 : index
    %get3A_82 = arith.constant 0 : index
    %get3A_83 = vector.load %arg5[%get3A_80, %get3A_81, %get3A_82] : memref<16x128x128xf32, #tpu.memory_space<vmem>>, vector<1x128x128xf32>
    %get3A_84 = vector.shape_cast %get3A_83 : vector<1x128x128xf32> to vector<128x128xf32>
    %dot_general3A_85 = arith.constant dense<0.000000e+00> : vector<1000x128xf32>
    %dot_general3A_86 = tpu.matmul %get3A_24, %get3A_84, %dot_general3A_85 {dimension_numbers = #tpu.dot_dimension_numbers<[1], [0], [0], [1], [0, 0, 1, 1], [], []>, transpose_lhs_hint = false} : vector<1000x128xf32>, vector<128x128xf32>, vector<1000x128xf32> -> vector<1000x128xf32>
    %mul3A_87 = vector.broadcast %broadcast_in_dim3A_79 : vector<1000x1xf32> to vector<1000x128xf32>
    %mul3A_88 = arith.mulf %mul3A_87, %dot_general3A_86 : vector<1000x128xf32>
    %add3A_89 = arith.addf %add3A_76, %mul3A_88 : vector<1000x128xf32>
    %slice3A_90 = vector.extract_strided_slice %get3A_27 {offsets = [0, 5], sizes = [1000, 1], strides = [1, 1]} : vector<1000x16xf32> to vector<1000x1xf32>
    %squeeze3A_91 = vector.shape_cast %slice3A_90 : vector<1000x1xf32> to vector<1000xf32>
    %broadcast_in_dim3A_92 = vector.shape_cast %squeeze3A_91 : vector<1000xf32> to vector<1000x1xf32>
    %get3A_93 = arith.constant 5 : index
    %get3A_94 = arith.constant 0 : index
    %get3A_95 = arith.constant 0 : index
    %get3A_96 = vector.load %arg5[%get3A_93, %get3A_94, %get3A_95] : memref<16x128x128xf32, #tpu.memory_space<vmem>>, vector<1x128x128xf32>
    %get3A_97 = vector.shape_cast %get3A_96 : vector<1x128x128xf32> to vector<128x128xf32>
    %dot_general3A_98 = arith.constant dense<0.000000e+00> : vector<1000x128xf32>
    %dot_general3A_99 = tpu.matmul %get3A_24, %get3A_97, %dot_general3A_98 {dimension_numbers = #tpu.dot_dimension_numbers<[1], [0], [0], [1], [0, 0, 1, 1], [], []>, transpose_lhs_hint = false} : vector<1000x128xf32>, vector<128x128xf32>, vector<1000x128xf32> -> vector<1000x128xf32>
    %mul3A_100 = vector.broadcast %broadcast_in_dim3A_92 : vector<1000x1xf32> to vector<1000x128xf32>
    %mul3A_101 = arith.mulf %mul3A_100, %dot_general3A_99 : vector<1000x128xf32>
    %add3A_102 = arith.addf %add3A_89, %mul3A_101 : vector<1000x128xf32>
    %slice3A_103 = vector.extract_strided_slice %get3A_27 {offsets = [0, 6], sizes = [1000, 1], strides = [1, 1]} : vector<1000x16xf32> to vector<1000x1xf32>
    %squeeze3A_104 = vector.shape_cast %slice3A_103 : vector<1000x1xf32> to vector<1000xf32>
    %broadcast_in_dim3A_105 = vector.shape_cast %squeeze3A_104 : vector<1000xf32> to vector<1000x1xf32>
    %get3A_106 = arith.constant 6 : index
    %get3A_107 = arith.constant 0 : index
    %get3A_108 = arith.constant 0 : index
    %get3A_109 = vector.load %arg5[%get3A_106, %get3A_107, %get3A_108] : memref<16x128x128xf32, #tpu.memory_space<vmem>>, vector<1x128x128xf32>
    %get3A_110 = vector.shape_cast %get3A_109 : vector<1x128x128xf32> to vector<128x128xf32>
    %dot_general3A_111 = arith.constant dense<0.000000e+00> : vector<1000x128xf32>
    %dot_general3A_112 = tpu.matmul %get3A_24, %get3A_110, %dot_general3A_111 {dimension_numbers = #tpu.dot_dimension_numbers<[1], [0], [0], [1], [0, 0, 1, 1], [], []>, transpose_lhs_hint = false} : vector<1000x128xf32>, vector<128x128xf32>, vector<1000x128xf32> -> vector<1000x128xf32>
    %mul3A_113 = vector.broadcast %broadcast_in_dim3A_105 : vector<1000x1xf32> to vector<1000x128xf32>
    %mul3A_114 = arith.mulf %mul3A_113, %dot_general3A_112 : vector<1000x128xf32>
    %add3A_115 = arith.addf %add3A_102, %mul3A_114 : vector<1000x128xf32>
    %slice3A_116 = vector.extract_strided_slice %get3A_27 {offsets = [0, 7], sizes = [1000, 1], strides = [1, 1]} : vector<1000x16xf32> to vector<1000x1xf32>
    %squeeze3A_117 = vector.shape_cast %slice3A_116 : vector<1000x1xf32> to vector<1000xf32>
    %broadcast_in_dim3A_118 = vector.shape_cast %squeeze3A_117 : vector<1000xf32> to vector<1000x1xf32>
    %get3A_119 = arith.constant 7 : index
    %get3A_120 = arith.constant 0 : index
    %get3A_121 = arith.constant 0 : index
    %get3A_122 = vector.load %arg5[%get3A_119, %get3A_120, %get3A_121] : memref<16x128x128xf32, #tpu.memory_space<vmem>>, vector<1x128x128xf32>
    %get3A_123 = vector.shape_cast %get3A_122 : vector<1x128x128xf32> to vector<128x128xf32>
    %dot_general3A_124 = arith.constant dense<0.000000e+00> : vector<1000x128xf32>
    %dot_general3A_125 = tpu.matmul %get3A_24, %get3A_123, %dot_general3A_124 {dimension_numbers = #tpu.dot_dimension_numbers<[1], [0], [0], [1], [0, 0, 1, 1], [], []>, transpose_lhs_hint = false} : vector<1000x128xf32>, vector<128x128xf32>, vector<1000x128xf32> -> vector<1000x128xf32>
    %mul3A_126 = vector.broadcast %broadcast_in_dim3A_118 : vector<1000x1xf32> to vector<1000x128xf32>
    %mul3A_127 = arith.mulf %mul3A_126, %dot_general3A_125 : vector<1000x128xf32>
    %add3A_128 = arith.addf %add3A_115, %mul3A_127 : vector<1000x128xf32>
    %slice3A_129 = vector.extract_strided_slice %get3A_27 {offsets = [0, 8], sizes = [1000, 1], strides = [1, 1]} : vector<1000x16xf32> to vector<1000x1xf32>
    %squeeze3A_130 = vector.shape_cast %slice3A_129 : vector<1000x1xf32> to vector<1000xf32>
    %broadcast_in_dim3A_131 = vector.shape_cast %squeeze3A_130 : vector<1000xf32> to vector<1000x1xf32>
    %get3A_132 = arith.constant 8 : index
    %get3A_133 = arith.constant 0 : index
    %get3A_134 = arith.constant 0 : index
    %get3A_135 = vector.load %arg5[%get3A_132, %get3A_133, %get3A_134] : memref<16x128x128xf32, #tpu.memory_space<vmem>>, vector<1x128x128xf32>
    %get3A_136 = vector.shape_cast %get3A_135 : vector<1x128x128xf32> to vector<128x128xf32>
    %dot_general3A_137 = arith.constant dense<0.000000e+00> : vector<1000x128xf32>
    %dot_general3A_138 = tpu.matmul %get3A_24, %get3A_136, %dot_general3A_137 {dimension_numbers = #tpu.dot_dimension_numbers<[1], [0], [0], [1], [0, 0, 1, 1], [], []>, transpose_lhs_hint = false} : vector<1000x128xf32>, vector<128x128xf32>, vector<1000x128xf32> -> vector<1000x128xf32>
    %mul3A_139 = vector.broadcast %broadcast_in_dim3A_131 : vector<1000x1xf32> to vector<1000x128xf32>
    %mul3A_140 = arith.mulf %mul3A_139, %dot_general3A_138 : vector<1000x128xf32>
    %add3A_141 = arith.addf %add3A_128, %mul3A_140 : vector<1000x128xf32>
    %slice3A_142 = vector.extract_strided_slice %get3A_27 {offsets = [0, 9], sizes = [1000, 1], strides = [1, 1]} : vector<1000x16xf32> to vector<1000x1xf32>
    %squeeze3A_143 = vector.shape_cast %slice3A_142 : vector<1000x1xf32> to vector<1000xf32>
    %broadcast_in_dim3A_144 = vector.shape_cast %squeeze3A_143 : vector<1000xf32> to vector<1000x1xf32>
    %get3A_145 = arith.constant 9 : index
    %get3A_146 = arith.constant 0 : index
    %get3A_147 = arith.constant 0 : index
    %get3A_148 = vector.load %arg5[%get3A_145, %get3A_146, %get3A_147] : memref<16x128x128xf32, #tpu.memory_space<vmem>>, vector<1x128x128xf32>
    %get3A_149 = vector.shape_cast %get3A_148 : vector<1x128x128xf32> to vector<128x128xf32>
    %dot_general3A_150 = arith.constant dense<0.000000e+00> : vector<1000x128xf32>
    %dot_general3A_151 = tpu.matmul %get3A_24, %get3A_149, %dot_general3A_150 {dimension_numbers = #tpu.dot_dimension_numbers<[1], [0], [0], [1], [0, 0, 1, 1], [], []>, transpose_lhs_hint = false} : vector<1000x128xf32>, vector<128x128xf32>, vector<1000x128xf32> -> vector<1000x128xf32>
    %mul3A_152 = vector.broadcast %broadcast_in_dim3A_144 : vector<1000x1xf32> to vector<1000x128xf32>
    %mul3A_153 = arith.mulf %mul3A_152, %dot_general3A_151 : vector<1000x128xf32>
    %add3A_154 = arith.addf %add3A_141, %mul3A_153 : vector<1000x128xf32>
    %slice3A_155 = vector.extract_strided_slice %get3A_27 {offsets = [0, 10], sizes = [1000, 1], strides = [1, 1]} : vector<1000x16xf32> to vector<1000x1xf32>
    %squeeze3A_156 = vector.shape_cast %slice3A_155 : vector<1000x1xf32> to vector<1000xf32>
    %broadcast_in_dim3A_157 = vector.shape_cast %squeeze3A_156 : vector<1000xf32> to vector<1000x1xf32>
    %get3A_158 = arith.constant 10 : index
    %get3A_159 = arith.constant 0 : index
    %get3A_160 = arith.constant 0 : index
    %get3A_161 = vector.load %arg5[%get3A_158, %get3A_159, %get3A_160] : memref<16x128x128xf32, #tpu.memory_space<vmem>>, vector<1x128x128xf32>
    %get3A_162 = vector.shape_cast %get3A_161 : vector<1x128x128xf32> to vector<128x128xf32>
    %dot_general3A_163 = arith.constant dense<0.000000e+00> : vector<1000x128xf32>
    %dot_general3A_164 = tpu.matmul %get3A_24, %get3A_162, %dot_general3A_163 {dimension_numbers = #tpu.dot_dimension_numbers<[1], [0], [0], [1], [0, 0, 1, 1], [], []>, transpose_lhs_hint = false} : vector<1000x128xf32>, vector<128x128xf32>, vector<1000x128xf32> -> vector<1000x128xf32>
    %mul3A_165 = vector.broadcast %broadcast_in_dim3A_157 : vector<1000x1xf32> to vector<1000x128xf32>
    %mul3A_166 = arith.mulf %mul3A_165, %dot_general3A_164 : vector<1000x128xf32>
    %add3A_167 = arith.addf %add3A_154, %mul3A_166 : vector<1000x128xf32>
    %slice3A_168 = vector.extract_strided_slice %get3A_27 {offsets = [0, 11], sizes = [1000, 1], strides = [1, 1]} : vector<1000x16xf32> to vector<1000x1xf32>
    %squeeze3A_169 = vector.shape_cast %slice3A_168 : vector<1000x1xf32> to vector<1000xf32>
    %broadcast_in_dim3A_170 = vector.shape_cast %squeeze3A_169 : vector<1000xf32> to vector<1000x1xf32>
    %get3A_171 = arith.constant 11 : index
    %get3A_172 = arith.constant 0 : index
    %get3A_173 = arith.constant 0 : index
    %get3A_174 = vector.load %arg5[%get3A_171, %get3A_172, %get3A_173] : memref<16x128x128xf32, #tpu.memory_space<vmem>>, vector<1x128x128xf32>
    %get3A_175 = vector.shape_cast %get3A_174 : vector<1x128x128xf32> to vector<128x128xf32>
    %dot_general3A_176 = arith.constant dense<0.000000e+00> : vector<1000x128xf32>
    %dot_general3A_177 = tpu.matmul %get3A_24, %get3A_175, %dot_general3A_176 {dimension_numbers = #tpu.dot_dimension_numbers<[1], [0], [0], [1], [0, 0, 1, 1], [], []>, transpose_lhs_hint = false} : vector<1000x128xf32>, vector<128x128xf32>, vector<1000x128xf32> -> vector<1000x128xf32>
    %mul3A_178 = vector.broadcast %broadcast_in_dim3A_170 : vector<1000x1xf32> to vector<1000x128xf32>
    %mul3A_179 = arith.mulf %mul3A_178, %dot_general3A_177 : vector<1000x128xf32>
    %add3A_180 = arith.addf %add3A_167, %mul3A_179 : vector<1000x128xf32>
    %slice3A_181 = vector.extract_strided_slice %get3A_27 {offsets = [0, 12], sizes = [1000, 1], strides = [1, 1]} : vector<1000x16xf32> to vector<1000x1xf32>
    %squeeze3A_182 = vector.shape_cast %slice3A_181 : vector<1000x1xf32> to vector<1000xf32>
    %broadcast_in_dim3A_183 = vector.shape_cast %squeeze3A_182 : vector<1000xf32> to vector<1000x1xf32>
    %get3A_184 = arith.constant 12 : index
    %get3A_185 = arith.constant 0 : index
    %get3A_186 = arith.constant 0 : index
    %get3A_187 = vector.load %arg5[%get3A_184, %get3A_185, %get3A_186] : memref<16x128x128xf32, #tpu.memory_space<vmem>>, vector<1x128x128xf32>
    %get3A_188 = vector.shape_cast %get3A_187 : vector<1x128x128xf32> to vector<128x128xf32>
    %dot_general3A_189 = arith.constant dense<0.000000e+00> : vector<1000x128xf32>
    %dot_general3A_190 = tpu.matmul %get3A_24, %get3A_188, %dot_general3A_189 {dimension_numbers = #tpu.dot_dimension_numbers<[1], [0], [0], [1], [0, 0, 1, 1], [], []>, transpose_lhs_hint = false} : vector<1000x128xf32>, vector<128x128xf32>, vector<1000x128xf32> -> vector<1000x128xf32>
    %mul3A_191 = vector.broadcast %broadcast_in_dim3A_183 : vector<1000x1xf32> to vector<1000x128xf32>
    %mul3A_192 = arith.mulf %mul3A_191, %dot_general3A_190 : vector<1000x128xf32>
    %add3A_193 = arith.addf %add3A_180, %mul3A_192 : vector<1000x128xf32>
    %slice3A_194 = vector.extract_strided_slice %get3A_27 {offsets = [0, 13], sizes = [1000, 1], strides = [1, 1]} : vector<1000x16xf32> to vector<1000x1xf32>
    %squeeze3A_195 = vector.shape_cast %slice3A_194 : vector<1000x1xf32> to vector<1000xf32>
    %broadcast_in_dim3A_196 = vector.shape_cast %squeeze3A_195 : vector<1000xf32> to vector<1000x1xf32>
    %get3A_197 = arith.constant 13 : index
    %get3A_198 = arith.constant 0 : index
    %get3A_199 = arith.constant 0 : index
    %get3A_200 = vector.load %arg5[%get3A_197, %get3A_198, %get3A_199] : memref<16x128x128xf32, #tpu.memory_space<vmem>>, vector<1x128x128xf32>
    %get3A_201 = vector.shape_cast %get3A_200 : vector<1x128x128xf32> to vector<128x128xf32>
    %dot_general3A_202 = arith.constant dense<0.000000e+00> : vector<1000x128xf32>
    %dot_general3A_203 = tpu.matmul %get3A_24, %get3A_201, %dot_general3A_202 {dimension_numbers = #tpu.dot_dimension_numbers<[1], [0], [0], [1], [0, 0, 1, 1], [], []>, transpose_lhs_hint = false} : vector<1000x128xf32>, vector<128x128xf32>, vector<1000x128xf32> -> vector<1000x128xf32>
    %mul3A_204 = vector.broadcast %broadcast_in_dim3A_196 : vector<1000x1xf32> to vector<1000x128xf32>
    %mul3A_205 = arith.mulf %mul3A_204, %dot_general3A_203 : vector<1000x128xf32>
    %add3A_206 = arith.addf %add3A_193, %mul3A_205 : vector<1000x128xf32>
    %slice3A_207 = vector.extract_strided_slice %get3A_27 {offsets = [0, 14], sizes = [1000, 1], strides = [1, 1]} : vector<1000x16xf32> to vector<1000x1xf32>
    %squeeze3A_208 = vector.shape_cast %slice3A_207 : vector<1000x1xf32> to vector<1000xf32>
    %broadcast_in_dim3A_209 = vector.shape_cast %squeeze3A_208 : vector<1000xf32> to vector<1000x1xf32>
    %get3A_210 = arith.constant 14 : index
    %get3A_211 = arith.constant 0 : index
    %get3A_212 = arith.constant 0 : index
    %get3A_213 = vector.load %arg5[%get3A_210, %get3A_211, %get3A_212] : memref<16x128x128xf32, #tpu.memory_space<vmem>>, vector<1x128x128xf32>
    %get3A_214 = vector.shape_cast %get3A_213 : vector<1x128x128xf32> to vector<128x128xf32>
    %dot_general3A_215 = arith.constant dense<0.000000e+00> : vector<1000x128xf32>
    %dot_general3A_216 = tpu.matmul %get3A_24, %get3A_214, %dot_general3A_215 {dimension_numbers = #tpu.dot_dimension_numbers<[1], [0], [0], [1], [0, 0, 1, 1], [], []>, transpose_lhs_hint = false} : vector<1000x128xf32>, vector<128x128xf32>, vector<1000x128xf32> -> vector<1000x128xf32>
    %mul3A_217 = vector.broadcast %broadcast_in_dim3A_209 : vector<1000x1xf32> to vector<1000x128xf32>
    %mul3A_218 = arith.mulf %mul3A_217, %dot_general3A_216 : vector<1000x128xf32>
    %add3A_219 = arith.addf %add3A_206, %mul3A_218 : vector<1000x128xf32>
    %slice3A_220 = vector.extract_strided_slice %get3A_27 {offsets = [0, 15], sizes = [1000, 1], strides = [1, 1]} : vector<1000x16xf32> to vector<1000x1xf32>
    %squeeze3A_221 = vector.shape_cast %slice3A_220 : vector<1000x1xf32> to vector<1000xf32>
    %broadcast_in_dim3A_222 = vector.shape_cast %squeeze3A_221 : vector<1000xf32> to vector<1000x1xf32>
    %get3A_223 = arith.constant 15 : index
    %get3A_224 = arith.constant 0 : index
    %get3A_225 = arith.constant 0 : index
    %get3A_226 = vector.load %arg5[%get3A_223, %get3A_224, %get3A_225] : memref<16x128x128xf32, #tpu.memory_space<vmem>>, vector<1x128x128xf32>
    %get3A_227 = vector.shape_cast %get3A_226 : vector<1x128x128xf32> to vector<128x128xf32>
    %dot_general3A_228 = arith.constant dense<0.000000e+00> : vector<1000x128xf32>
    %dot_general3A_229 = tpu.matmul %get3A_24, %get3A_227, %dot_general3A_228 {dimension_numbers = #tpu.dot_dimension_numbers<[1], [0], [0], [1], [0, 0, 1, 1], [], []>, transpose_lhs_hint = false} : vector<1000x128xf32>, vector<128x128xf32>, vector<1000x128xf32> -> vector<1000x128xf32>
    %mul3A_230 = vector.broadcast %broadcast_in_dim3A_222 : vector<1000x1xf32> to vector<1000x128xf32>
    %mul3A_231 = arith.mulf %mul3A_230, %dot_general3A_229 : vector<1000x128xf32>
    %add3A_232 = arith.addf %add3A_219, %mul3A_231 : vector<1000x128xf32>
    %get3A_233 = arith.constant 0 : index
    %get3A_234 = arith.constant 0 : index
    %get3A_235 = vector.load %arg6[%get3A_233, %get3A_234] : memref<128x128xf32, #tpu.memory_space<vmem>>, vector<128x128xf32>
    %dot_general3A_236 = arith.constant dense<0.000000e+00> : vector<1000x128xf32>
    %dot_general3A_237 = tpu.matmul %add3A_232, %get3A_235, %dot_general3A_236 {dimension_numbers = #tpu.dot_dimension_numbers<[1], [0], [0], [1], [0, 0, 1, 1], [], []>, transpose_lhs_hint = false} : vector<1000x128xf32>, vector<128x128xf32>, vector<1000x128xf32> -> vector<1000x128xf32>
    %add3A_238 = arith.addf %dot_general3A_237, %add3A_232 : vector<1000x128xf32>
    %swap3A = arith.constant 0 : index
    %swap3A_239 = arith.constant 0 : index
    %swap3A_240 = vector.load %arg7[%swap3A, %swap3A_239] : memref<1000x128xf32, #tpu.memory_space<vmem>>, vector<1000x128xf32>
    tpu.vector_store %arg7[%swap3A, %swap3A_239], %add3A_238 {strides = array<i32>} : memref<1000x128xf32, #tpu.memory_space<vmem>>, vector<1000x128xf32>,
    return
  }
  func.func @transform_0(%arg0: i32) -> (i32, i32, i32) {
    %c0_i32 = arith.constant 0 : i32
    %c0_i32_0 = arith.constant 0 : i32
    %c0_i32_1 = arith.constant 0 : i32
    return %c0_i32, %arg0, %c0_i32_0 : i32, i32, i32
  }
  func.func @transform_1(%arg0: i32) -> (i32, i32) {
    %c0_i32 = arith.constant 0 : i32
    %c0_i32_0 = arith.constant 0 : i32
    return %arg0, %c0_i32 : i32, i32
  }
  func.func @transform_2(%arg0: i32) -> (i32, i32) {
    %c0_i32 = arith.constant 0 : i32
    %c0_i32_0 = arith.constant 0 : i32
    return %arg0, %c0_i32 : i32, i32
  }
  func.func @transform_3(%arg0: i32) -> (i32, i32) {
    %c0_i32 = arith.constant 0 : i32
    %c0_i32_0 = arith.constant 0 : i32
    %c0_i32_1 = arith.constant 0 : i32
    return %c0_i32, %c0_i32_0 : i32, i32
  }
  func.func @transform_4(%arg0: i32) -> (i32, i32, i32) {
    %c0_i32 = arith.constant 0 : i32
    %c0_i32_0 = arith.constant 0 : i32
    %c0_i32_1 = arith.constant 0 : i32
    %c0_i32_2 = arith.constant 0 : i32
    return %c0_i32, %c0_i32_0, %c0_i32_1 : i32, i32, i32
  }
  func.func @transform_5(%arg0: i32) -> (i32, i32) {
    %c0_i32 = arith.constant 0 : i32
    %c0_i32_0 = arith.constant 0 : i32
    %c0_i32_1 = arith.constant 0 : i32
    return %c0_i32, %c0_i32_0 : i32, i32
  }
  func.func @transform_6(%arg0: i32) -> (i32, i32) {
    %c0_i32 = arith.constant 0 : i32
    %c0_i32_0 = arith.constant 0 : i32
    return %arg0, %c0_i32 : i32, i32
  }
}

</mosaic_0001>

<sc_bundles>
// kernel: kernel.5.cloned.1.call-start
scs
__scs_entry_jumppad:
0x0: {  	(pc) =	sbr.rel $0x88, $3  }
0x1: {  	(tag) =	ssettag $0x0;
	lr =	simm.s32 $0x1  }
0x2: {  	[smem:$0x3F94] =	sst lr;
	_ =	strace $0xD0000000  }
0x3: {  	_ = 	snop  }
0x4: {  	_ = 	snop  }
0x5: {  	_ = 	snop  }
0x6: {  	_ = 	snop  }
0x7: {  	_ = 	snop  }
__scs_overlays_trampoline_lowered:
0x8: {  	[smem:$0x3FA3] =	sst s0  }
0x9: {  	[smem:$0x3FA4] =	sst s1  }
0xa: {  	[smem:$0x3FA5] =	sst s2  }
0xb: {  	[smem:$0x3FA6] =	sst s3  }
0xc: {  	[smem:$0x3FA7] =	sst s4  }
0xd: {  	[smem:$0x3FA8] =	sst s5  }
0xe: {  	[smem:$0x3FA9] =	sst s6  }
0xf: {  	[smem:$0x3FAA] =	sst s7  }
0x10: {  	[smem:$0x3FAB] =	sst s8  }
0x11: {  	[smem:$0x3FAC] =	sst s9;
	s0 =	simm.s32 @!p0 $0x0  }
0x12: {  	s1 =	sld [smem:$0x3F92];
	s0 =	simm.s32 @p0 $0x1  }
0x13: {  	[smem:$0x3FAD] =	sst s0;
	s0 =	simm.s32 @!p1 $0x0  }
0x14: {  	s2 =	sld [smem:$0x3F91];
	s0 =	simm.s32 @p1 $0x1  }
0x15: {  	[smem:$0x3FAE] =	sst s0;
	s0 =	simm.s32 @!p2 $0x0  }
0x16: {  	s3 =	sld [smem:$0x3FDB];
	s0 =	simm.s32 @p2 $0x1  }
0x17: {  	s4 =	simm.s32 $0x1BF5;
	[smem:$0x3FB0] =	sst s0  }
0x18: {  	s0 =	sld [smem:$0x3F93];
	_ =	swait.ge [sflag:s4], $0x0  }
0x19: {  	s7 =	sld [smem:$0x3F94]  }
0x1a: {  	s8 =	sadd.s32 $0xFFFFE003, lr  }
0x1b: {  	s9 =	sadd.s32 $0xFFFFFEF7, lr;
	s5 =	simm.s32 $0xFFFFFFFF;
	p2 =	slt.u32 s8, $0xFFFFF086  }
0x1c: {  	p1 =	slt.u32 s9, $0xF7A;
	s5 =	simm.s32 @!p2 $0x0  }
0x1d: {  	s5 =	simm.s32 @p1 $0x1;
	p0 =	seq.s32 s7, s2  }
0x1e: {  	s7 =	smul.u32 @!p0 $0xF7A, s2;
	p2 =	seq.s32 @!p0 s5, $0x0  }
0x1f: {  	s9 =	smul.u32 $0xF7A, s1;
	s8 =	simm.s32 @!p0 $0x1BF5;
	p2 =	por !p2, p0  }
0x20: {  	[sflag:s8] =	ssyncset.s32 @!p0 $0xFFFFF086;
	s6 =	sadd.s32 @!p0 s3, s7;
	s7 =	simm.s32 @!p0 $0x108  }
0x21: {  	s3 =	sadd.s32 s3, s9;
	s6 =	sadd.s32 @!p0 $0x88, s6;
	s7 =	simm.s32 @p2 $0x1082  }
0x22: {  	[simem:s7], [sflag:s8] =	dma.local @!p0 [hbm:s6], $0xF7A  }
0x23: {  	s9 =	sor.u32 $0xD0000000, s2;
	s6 =	simm.s32 $0x108;
	_ =	swait.ge @!p0 [sflag:s8], $0x0  }
0x24: {  	s3 =	sadd.s32 $0x88, s3;
	s6 =	simm.s32 @!p1 $0x1082;
	[sflag:s4] =	ssyncset.s32 $0xFFFFF086  }
0x25: {  	[simem:s6], [sflag:s4] =	dma.local [hbm:s3], $0xF7A  }
0x26: {  	[smem:$0x3F94] =	sst s1;
	(tag) =	ssettag s2;
	_ =	strace s9  }
0x27: {  	s1 =	sld [smem:$0x3FA4]  }
0x28: {  	s2 =	sld [smem:$0x3FA5]  }
0x29: {  	s4 =	sld [smem:$0x3FA7]  }
0x2a: {  	p0 =	seq.s32 s5, $0x0;
	s5 =	sld [smem:$0x3FA8]  }
0x2b: {  	s6 =	sld [smem:$0x3FA9]  }
0x2c: {  	s7 =	sld [smem:$0x3FAA]  }
0x2d: {  	s3 =	simm.s32 $0x108;
	s8 =	sld [smem:$0x3FAB]  }
0x2e: {  	s3 =	simm.s32 @!p0 $0x1082;
	s9 =	sld [smem:$0x3FAC]  }
0x2f: {  	lr =	sadd.s32 s0, s3;
	s0 =	sld [smem:$0x3FA3]  }
0x30: {  	s3 =	sld [smem:$0x3FA6]  }
0x31: {  	[smem:$0x3FAF] =	sst s10  }
0x32: {  	s10 =	sld [smem:$0x3FAD];
	_ =	sdelay $0x3  }
0x33: {  	p0 =	seq.s32 s10, $0x1;
	s10 =	sld [smem:$0x3FAF];
	_ =	sdelay $0x3  }
0x34: {  	[smem:$0x3FAF] =	sst s10  }
0x35: {  	s10 =	sld [smem:$0x3FAE];
	_ =	sdelay $0x3  }
0x36: {  	p1 =	seq.s32 s10, $0x1;
	s10 =	sld [smem:$0x3FAF];
	_ =	sdelay $0x3  }
0x37: {  	[smem:$0x3FAF] =	sst s10  }
0x38: {  	s10 =	sld [smem:$0x3FB0]  }
0x39: {  	_ = 	snop;
	(pc) =	sbr.ind lr, $3  }
0x3a: {  	_ = 	snop  }
0x3b: {  	_ = 	snop  }
0x3c: {  	p2 =	seq.s32 s10, $0x1;
	s10 =	sld [smem:$0x3FAF]  }
0x3d: {  	_ =	shalt  }
0x3e: {  	_ =	shalt  }
0x3f: {  	_ =	shalt  }
0x40: {  	_ =	shalt  }
0x41: {  	_ =	shalt  }
0x42: {  	_ =	shalt  }
0x43: {  	_ =	shalt  }
0x44: {  	_ =	shalt  }
0x45: {  	_ =	shalt  }
0x46: {  	_ =	shalt  }
0x47: {  	_ =	shalt  }
0x48: {  	_ =	shalt  }
0x49: {  	_ =	shalt  }
0x4a: {  	_ =	shalt  }
0x4b: {  	_ =	shalt  }
0x4c: {  	_ =	shalt  }
0x4d: {  	_ =	shalt  }
0x4e: {  	_ =	shalt  }
0x4f: {  	_ =	shalt  }
0x50: {  	_ =	shalt  }
0x51: {  	_ =	shalt  }
0x52: {  	_ =	shalt  }
0x53: {  	_ =	shalt  }
0x54: {  	_ =	shalt  }
0x55: {  	_ =	shalt  }
0x56: {  	_ =	shalt  }
0x57: {  	_ =	shalt  }
0x58: {  	_ =	shalt  }
0x59: {  	_ =	shalt  }
0x5a: {  	_ =	shalt  }
0x5b: {  	_ =	shalt  }
0x5c: {  	_ =	shalt  }
0x5d: {  	_ =	shalt  }
0x5e: {  	_ =	shalt  }
0x5f: {  	_ =	shalt  }
0x60: {  	_ =	shalt  }
0x61: {  	_ =	shalt  }
0x62: {  	_ =	shalt  }
0x63: {  	_ =	shalt  }
0x64: {  	_ =	shalt  }
0x65: {  	_ =	shalt  }
0x66: {  	_ =	shalt  }
0x67: {  	_ =	shalt  }
0x68: {  	_ =	shalt  }
0x69: {  	_ =	shalt  }
0x6a: {  	_ =	shalt  }
0x6b: {  	_ =	shalt  }
0x6c: {  	_ =	shalt  }
0x6d: {  	_ =	shalt  }
0x6e: {  	_ =	shalt  }
0x6f: {  	_ =	shalt  }
0x70: {  	_ =	shalt  }
0x71: {  	_ =	shalt  }
0x72: {  	_ =	shalt  }
0x73: {  	_ =	shalt  }
0x74: {  	_ =	shalt  }
0x75: {  	_ =	shalt  }
0x76: {  	_ =	shalt  }
0x77: {  	_ =	shalt  }
0x78: {  	_ =	shalt  }
0x79: {  	_ =	shalt  }
0x7a: {  	_ =	shalt  }
0x7b: {  	_ =	shalt  }
0x7c: {  	_ =	shalt  }
0x7d: {  	_ =	shalt  }
0x7e: {  	_ =	shalt  }
0x7f: {  	_ =	shalt  }
0x80: {  	_ =	shalt  }
0x81: {  	_ =	shalt  }
0x82: {  	_ =	shalt  }
0x83: {  	_ =	shalt  }
0x84: {  	_ =	shalt  }
0x85: {  	_ =	shalt  }
0x86: {  	_ =	shalt  }
0x87: {  	_ =	shalt  }
.Lfunc_end0:
.L_simem_size_0:
called_computation_lowered:
.L_overlay_start_0:
0x88: {  	s2 =	sld [smem:$0x3FD9]  }
0x89: {  	s3 =	sld [smem:$0x3FFE];
	_ =	sdelay $0x1  }
0x8a: {  	s1 =	srdreg.scid  }
0x8b: {  	s0 =	sand.u32 $0x1, s1  }
0x8c: {  	s17 =	sshll.u32 s0, $0xA;
	s2 =	sadd.s32 s3, s2  }
0x8d: {  	s2 =	sadd.s32 s2, s17  }
0x8e: {  	[smem:$0x3FBB] =	sst s2  }
0x8f: {  	_ = 	snop  }
0x90: {  	s2 =	sld [smem:$0x3FC9]  }
0x91: {  	s18 =	sld [smem:$0x3FD0];
	(tm) =	ssettm $0x1  }
0x92: {  	s4 =	sld [smem:$0x3FFB];
	_ =	sdelay $0x3  }
0x93: {  	_ =	strace s4  }
0x94: {  	s4 =	sld [smem:$0x3FFC];
	_ =	sdelay $0x3  }
0x95: {  	_ =	strace s4  }
0x96: {  	s4 =	sld [smem:$0x3FFD];
	_ =	sdelay $0x3  }
0x97: {  	_ =	strace s4  }
0x98: {  	_ =	strace $0x8FFFFFFF  }
0x99: {  	s19 =	sld [smem:$0x3FDB];
	_ =	sdelay $0x1  }
0x9a: {  	s5 =	simm.s32 $_scs_section_size  }
0x9b: {  	s6 =	simm.s32 $_size__tile_overlayer_lowered;
	s7 =	simm.s32 $_tile_overlayer_lowered  }
0x9c: {  	s22 =	simm.s32 $0x1BFF;
	s21 =	sshll.u32 s7, $0x1;
	s4 =	sadd.s32 s5, s19  }
0x9d: {  	s8 =	simm.s32 $0x0;
	s20 =	sshll.u32 s6, $0x1;
	s6 =	sadd.s32 s21, s4  }
0x9e: {  	[timem:s8], [sflag:s22] =	dma.local [hbm:s6], s20  }
0x9f: {  	_ =	swait.ge [sflag:s22], s20  }
0xa0: {  	s5 =	ssub.s32 $0x0, s20;
	[sflag:s22] =	ssyncset.done $0x0  }
0xa1: {  	[sflag:s22] =	ssyncadd.s32 s5;
	_ =	sdelay $0x1  }
0xa2: {  	s23 =	simm.s32 $0x1B8B  }
0xa3: {  	_ =	swait.ge [sflag:s23], $0x1  }
0xa4: {  	[sflag:s23] =	ssyncset.done $0x0  }
0xa5: {  	s25 =	simm.s32 $0x1B8E;
	s24 =	sld [smem:$0x3FFE];
	[sflag:s23] =	ssyncadd.s32 $0xFFFFFFFF  }
0xa6: {  	s26 =	simm.s32 $execute0_lowered;
	[smem:$0x3FD2] =	sst s25  }
0xa7: {  	s6 =	sshll.u32 s26, $0x1;
	_ =	strace $0x80000046;
	[dreg:$0x1] =	wrdreg $0xFFFFFFFF  }
0xa8: {  	s28 =	simm.s32 $_size_execute0_lowered;
	s4 =	sadd.s32 s4, s6;
	[dreg:$0x0] =	wrdreg $0x0  }
0xa9: {  	s6 =	sshll.u32 s28, $0x1;
	[dreg:$0x2] =	wrdreg s4  }
0xaa: {  	[dreg:$0x3] =	wrdreg s6  }
0xab: {  	[dreg:$0x4] =	wrdreg $0xC0  }
0xac: {  	_ =	task [dreg:s8], $0x5FFFF  }
0xad: {  	[dreg:$0x1] =	wrdreg $0xFFFFFFFF  }
0xae: {  	[dreg:$0x0] =	wrdreg $0x60  }
0xaf: {  	[dreg:$0x2] =	wrdreg s2  }
0xb0: {  	[dreg:$0x3] =	wrdreg s24  }
0xb1: {  	[dreg:$0x4] =	wrdreg s18  }
0xb2: {  	[dreg:$0x5] =	wrdreg $0x51000  }
0xb3: {  	[dreg:$0x6] =	wrdreg $0x9  }
0xb4: {  	_ =	task.clear_ibuf [dreg:s8], $0x7FFFF;
	_ =	strace $0x90000046  }
0xb5: {  	s29 =	simm.s32 $0x9;
	_ =	strace $0x80000048  }
0xb6: {  	_ =	swait.ge [sflag:s29], $0x1  }
0xb7: {  	[sflag:s29] =	ssyncadd.s32 $0xFFFFFFFF  }
0xb8: {  	_ =	strace $0x90000048  }
0xb9: {  	_ =	sfence  }
0xba: {  	s30 =	sld [smem:$0x0];
	_ =	sdelay $0x2  }
0xbb: {  	s31 =	sshll.u32 s1, $0xD;
	s1 =	sshrl.u32 s1, $0x2  }
0xbc: {  	s3 =	sand.u32 $0x4000, s31;
	s1 =	sadd.s32 s1, s30  }
0xbd: {  	s0 =	sor.u32 s3, s0;
	s1 =	sshll.u32 s1, $0x11  }
0xbe: {  	s0 =	sor.u32 s1, s0  }
0xbf: {  	s0 =	sadd.s32 $0x8F2B, s0  }
0xc0: {  	[sflag:s0] =	ssyncadd.remote.s32 $0x1  }
0xc1: {  	_ =	sfence.sel $0xFFFF  }
0xc2: {  	[dreg:$0x0] =	wrdreg $0xFFFFFFFF;
	(pc) =	sbr.abs _section_cstart, $3  }
0xc3: {  	[dreg:$0x1] =	wrdreg $0xFFFFFFFF  }
0xc4: {  	_ =	task.clear_ibuf [dreg:s8], $0x2FFFF;
	_ =	strace $0x9FFFFFFF  }
0xc5: {  	(tm) =	ssettm $0x7FFFFFFF  }
tec
execute0_lowered:
.L_overlay_start_1:
0x0: {  	(tag) =	ssettag $0x1  }
0x1: {  	s1 =	rddreg [dreg:$0x0]  }
0x2: {  	s8 =	rddreg [dreg:$0x1]  }
0x3: {  	s3 =	rddreg [dreg:$0x2]  }
0x4: {  	s4 =	rddreg [dreg:$0x3]  }
0x5: {  	s0 =	rddreg [dreg:$0x4];
	s5 =	simm.s32 $0x0  }
0x6: {  	s2 =	stileid.u32;
	s6 =	srdreg.scid;
	s16 =	simm.s32 $0x2900  }
0x7: {  	s17 =	simm.s32 $0x50;
	s18 =	simm.s32 $0x100;
	s19 =	simm.s32 $0x1  }
0x8: {  	s20 =	simm.s32 $0x0;
	[smem:$0x7FF] =	sst s5;
	s9 =	smul.u32 $0x14000, s2  }
0x9: {  	s10 =	sand.u32 $0x1, s6;
	s6 =	sadd.s32 $0x2400, s8;
	s7 =	sadd.s32 $0x9D0200, s8  }
0xa: {  	s25 =	smul.u32 $0x50000, s2;
	s30 =	sshll.u32 s2, $0x6;
	_ =	strace $0x80000047  }
0xb: {  	s11 =	smul.u32 $0x140000, s10;
	s13 =	ssub.s32 $0x2, s10;
	s29 =	sshll.u32 s10, $0x4  }
0xc: {  	s12 =	sshrl.u32 s9, $0x3;
	s26 =	sshrl.u32 s13, $0x1;
	s28 =	sshrl.u32 s25, $0x2  }
0xd: {  	s31 =	sor.u32 s2, s29;
	s9 =	sadd.s32 s9, s11;
	s12 =	sadd.s32 s12, s8  }
0xe: {  	s13 =	ssub.s32 s13, s26;
	s15 =	sadd.s32 s28, s4;
	s9 =	sshrl.u32 s9, $0x3  }
0xf: {  	s10 =	smul.u32 $0x2710, s31;
	s14 =	sadd.s32 s9, s8;
	s8 =	sadd.s32 $0xC200, s12  }
0x10: {  	s9 =	sor.u32 $0x1C02, s30;
	s12 =	smax.u32 s13, $0x1;
	s13 =	sshrl.u32 s15, $0x3  }
0x11: {  	s15 =	simm.s32 $0x80;
	s11 =	sadd.s32 $0x34200, s14;
	s14 =	simm.s32 $0x2  }
.LBB2_1:
0x12: {  	[spmem:s13], [sflag:s9] =	dma.local [hbm:s8], $0x2800  }
0x13: {  	_ =	swait.ge [sflag:s14], $0x2800  }
0x14: {  	[sflag:s14] =	ssyncset.done $0x0  }
0x15: {  	[sflag:s14] =	ssyncadd.s32 $0xFFFFD800  }
0x16: {  	s21 =	simm.s32 $0x0;
	[bflag:$0x0] =	sbarrier.arrive $0xFFFF  }
.LBB2_2:
0x17: {  	s22 =	smul.u32 $0x50, s21;
	_ =	sdelay $0x1  }
0x18: {  	s22 =	sadd.s32 s10, s22  }
0x19: {  	s23 =	sshrl.u32 s22, $0x3  }
0x1a: {  	s24 =	sadd.s32 s6, s23  }
0x1b: {  	[tilespmem:s5], [sflag:$0x2] =	stream.linear.gather [hbm4b:s24+s5], $0x50, $0x38;
	[tilespmem:$0x19100] =	vst v63  }
0x1c: {  	_ =	swait.ge [sflag:s14], $0x50  }
0x1d: {  	[sflag:s14] =	ssyncset.done $0x0  }
0x1e: {  	s23 =	sadd.s32 s3, s23;
	[sflag:s14] =	ssyncadd.s32 $0xFFFFFFB0  }
0x1f: {  	[tilespmem:s15], [sflag:$0x2] =	stream.linear.gather [hbm4b:s23+s5], $0x50, $0x38;
	[tilespmem:$0x19100] =	vst v63  }
0x20: {  	_ =	swait.ge [sflag:s14], $0x50  }
0x21: {  	s22 =	sshll.u32 s22, $0x4;
	[sflag:s14] =	ssyncset.done $0x0  }
0x22: {  	s22 =	sadd.s32 s7, s22;
	[sflag:s14] =	ssyncadd.s32 $0xFFFFFFB0  }
0x23: {  	[tilespmem:s16], [sflag:$0x2] =	stream.linear.gather [hbm4b:s22+s5], $0x2800, $0x38;
	[tilespmem:$0x19100] =	vst v63  }
0x24: {  	_ =	swait.ge [sflag:s14], $0x2800  }
0x25: {  	[sflag:s14] =	ssyncset.done $0x0  }
0x26: {  	[sflag:s14] =	ssyncadd.s32 $0xFFFFD800  }
0x27: {  	[tilespmem:s18], [sflag:$0x1] =	stream.indirect.gather [hbm4b:s1+s17], $0x80, s5, s17, $0xb8;
	[tilespmem:$0x19100] =	vst v63  }
0x28: {  	_ =	swait.ge [sflag:s19], $0x2800  }
0x29: {  	[sflag:s19] =	ssyncset.done $0x0  }
0x2a: {  	s22 =	simm.s32 $0x180;
	[sflag:s19] =	ssyncadd.s32 $0xFFFFD800  }
0x2b: {  	s23 =	simm.s32 $0x2980;
	v0 =	vld [tilespmem:s22+$0xFFFFFF80]  }
0x2c: {  	v1 =	vld [tilespmem:s23+$0xFFFFFF80];
	_ =	sdelay $0x4  }
0x2d: {  	v0 =	vmul.f32 v1, v0;
	_ =	sdelay $0x1  }
0x2e: {  	[tilespmem:s22+$0xFFFFFF80] =	vst v0;
	v0 =	vld [tilespmem:s22+$0xFFFFFF90]  }
0x2f: {  	v1 =	vld [tilespmem:s23+$0xFFFFFF90];
	_ =	sdelay $0x4  }
0x30: {  	v0 =	vmul.f32 v1, v0;
	_ =	sdelay $0x1  }
0x31: {  	[tilespmem:s22+$0xFFFFFF90] =	vst v0;
	v0 =	vld [tilespmem:s22+$0xFFFFFFA0]  }
0x32: {  	v1 =	vld [tilespmem:s23+$0xFFFFFFA0];
	_ =	sdelay $0x4  }
0x33: {  	v0 =	vmul.f32 v1, v0;
	_ =	sdelay $0x1  }
0x34: {  	[tilespmem:s22+$0xFFFFFFA0] =	vst v0;
	v0 =	vld [tilespmem:s22+$0xFFFFFFB0]  }
0x35: {  	v1 =	vld [tilespmem:s23+$0xFFFFFFB0];
	_ =	sdelay $0x4  }
0x36: {  	v0 =	vmul.f32 v1, v0;
	_ =	sdelay $0x1  }
0x37: {  	[tilespmem:s22+$0xFFFFFFB0] =	vst v0;
	v0 =	vld [tilespmem:s22+$0xFFFFFFC0]  }
0x38: {  	v1 =	vld [tilespmem:s23+$0xFFFFFFC0];
	_ =	sdelay $0x4  }
0x39: {  	v0 =	vmul.f32 v1, v0;
	_ =	sdelay $0x1  }
0x3a: {  	[tilespmem:s22+$0xFFFFFFC0] =	vst v0;
	v0 =	vld [tilespmem:s22+$0xFFFFFFD0]  }
0x3b: {  	v1 =	vld [tilespmem:s23+$0xFFFFFFD0];
	_ =	sdelay $0x4  }
0x3c: {  	v0 =	vmul.f32 v1, v0;
	_ =	sdelay $0x1  }
0x3d: {  	[tilespmem:s22+$0xFFFFFFD0] =	vst v0;
	v0 =	vld [tilespmem:s22+$0xFFFFFFE0]  }
0x3e: {  	v1 =	vld [tilespmem:s23+$0xFFFFFFE0];
	_ =	sdelay $0x4  }
0x3f: {  	v0 =	vmul.f32 v1, v0;
	_ =	sdelay $0x1  }
0x40: {  	[tilespmem:s22+$0xFFFFFFE0] =	vst v0;
	v0 =	vld [tilespmem:s22+$0xFFFFFFF0]  }
0x41: {  	v1 =	vld [tilespmem:s23+$0xFFFFFFF0];
	_ =	sdelay $0x4  }
0x42: {  	v0 =	vmul.f32 v1, v0;
	_ =	sdelay $0x1  }
0x43: {  	[tilespmem:s22+$0xFFFFFFF0] =	vst v0;
	v0 =	vld [tilespmem:s22+$0x0]  }
0x44: {  	v1 =	vld [tilespmem:s23+$0x0];
	_ =	sdelay $0x4  }
0x45: {  	v0 =	vmul.f32 v1, v0;
	_ =	sdelay $0x1  }
0x46: {  	[tilespmem:s22+$0x0] =	vst v0;
	v0 =	vld [tilespmem:s22+$0x10]  }
0x47: {  	v1 =	vld [tilespmem:s23+$0x10];
	_ =	sdelay $0x4  }
0x48: {  	v0 =	vmul.f32 v1, v0;
	_ =	sdelay $0x1  }
0x49: {  	[tilespmem:s22+$0x10] =	vst v0;
	v0 =	vld [tilespmem:s22+$0x20]  }
0x4a: {  	v1 =	vld [tilespmem:s23+$0x20];
	_ =	sdelay $0x4  }
0x4b: {  	v0 =	vmul.f32 v1, v0;
	_ =	sdelay $0x1  }
0x4c: {  	[tilespmem:s22+$0x20] =	vst v0;
	v0 =	vld [tilespmem:s22+$0x30]  }
0x4d: {  	v1 =	vld [tilespmem:s23+$0x30];
	_ =	sdelay $0x4  }
0x4e: {  	v0 =	vmul.f32 v1, v0;
	_ =	sdelay $0x1  }
0x4f: {  	[tilespmem:s22+$0x30] =	vst v0;
	v0 =	vld [tilespmem:s22+$0x40]  }
0x50: {  	v1 =	vld [tilespmem:s23+$0x40];
	_ =	sdelay $0x4  }
0x51: {  	v0 =	vmul.f32 v1, v0;
	_ =	sdelay $0x1  }
0x52: {  	[tilespmem:s22+$0x40] =	vst v0;
	v0 =	vld [tilespmem:s22+$0x50]  }
0x53: {  	v1 =	vld [tilespmem:s23+$0x50];
	_ =	sdelay $0x4  }
0x54: {  	v0 =	vmul.f32 v1, v0;
	_ =	sdelay $0x1  }
0x55: {  	[tilespmem:s22+$0x50] =	vst v0;
	v0 =	vld [tilespmem:s22+$0x60]  }
0x56: {  	v1 =	vld [tilespmem:s23+$0x60];
	_ =	sdelay $0x4  }
0x57: {  	v0 =	vmul.f32 v1, v0;
	_ =	sdelay $0x1  }
0x58: {  	[tilespmem:s22+$0x60] =	vst v0;
	v0 =	vld [tilespmem:s22+$0x70]  }
0x59: {  	v1 =	vld [tilespmem:s23+$0x70];
	_ =	sdelay $0x4  }
0x5a: {  	v0 =	vmul.f32 v1, v0  }
0x5b: {  	s25 =	simm.s32 $0x280;
	s24 =	simm.s32 $0x0  }
.LBB2_3:
0x5c: {  	v1 =	vld [tilespmem:s25+$0xFFFFFF80];
	[tilespmem:s22+$0x70] =	vst v0;
	s23 =	sadd.s32 $0x100, s23;
	s22 =	smov.u32 s25  }
0x5d: {  	s24 =	sadd.s32 $0x2, s24;
	v0 =	vld [tilespmem:s23+$0xFFFFFF80]  }
0x5e: {  	p0 =	slt.u32 s24, $0x4E;
	_ =	sdelay $0x3  }
0x5f: {  	v0 =	vmul.f32 v0, v1;
	_ =	sdelay $0x1  }
0x60: {  	[tilespmem:s25+$0xFFFFFF80] =	vst v0;
	v0 =	vld [tilespmem:s25+$0xFFFFFF90]  }
0x61: {  	v1 =	vld [tilespmem:s23+$0xFFFFFF90];
	_ =	sdelay $0x4  }
0x62: {  	v0 =	vmul.f32 v1, v0;
	_ =	sdelay $0x1  }
0x63: {  	[tilespmem:s25+$0xFFFFFF90] =	vst v0;
	v0 =	vld [tilespmem:s25+$0xFFFFFFA0]  }
0x64: {  	v1 =	vld [tilespmem:s23+$0xFFFFFFA0];
	_ =	sdelay $0x4  }
0x65: {  	v0 =	vmul.f32 v1, v0;
	_ =	sdelay $0x1  }
0x66: {  	[tilespmem:s25+$0xFFFFFFA0] =	vst v0;
	v0 =	vld [tilespmem:s25+$0xFFFFFFB0]  }
0x67: {  	v1 =	vld [tilespmem:s23+$0xFFFFFFB0];
	_ =	sdelay $0x4  }
0x68: {  	v0 =	vmul.f32 v1, v0;
	_ =	sdelay $0x1  }
0x69: {  	[tilespmem:s25+$0xFFFFFFB0] =	vst v0;
	v0 =	vld [tilespmem:s25+$0xFFFFFFC0]  }
0x6a: {  	v1 =	vld [tilespmem:s23+$0xFFFFFFC0];
	_ =	sdelay $0x4  }
0x6b: {  	v0 =	vmul.f32 v1, v0;
	_ =	sdelay $0x1  }
0x6c: {  	[tilespmem:s25+$0xFFFFFFC0] =	vst v0;
	v0 =	vld [tilespmem:s25+$0xFFFFFFD0]  }
0x6d: {  	v1 =	vld [tilespmem:s23+$0xFFFFFFD0];
	_ =	sdelay $0x4  }
0x6e: {  	v0 =	vmul.f32 v1, v0;
	_ =	sdelay $0x1  }
0x6f: {  	[tilespmem:s25+$0xFFFFFFD0] =	vst v0;
	v0 =	vld [tilespmem:s25+$0xFFFFFFE0]  }
0x70: {  	v1 =	vld [tilespmem:s23+$0xFFFFFFE0];
	_ =	sdelay $0x4  }
0x71: {  	v0 =	vmul.f32 v1, v0;
	_ =	sdelay $0x1  }
0x72: {  	[tilespmem:s25+$0xFFFFFFE0] =	vst v0;
	v0 =	vld [tilespmem:s25+$0xFFFFFFF0]  }
0x73: {  	v1 =	vld [tilespmem:s23+$0xFFFFFFF0];
	_ =	sdelay $0x4  }
0x74: {  	v0 =	vmul.f32 v1, v0;
	_ =	sdelay $0x1  }
0x75: {  	[tilespmem:s25+$0xFFFFFFF0] =	vst v0;
	v0 =	vld [tilespmem:s25+$0x0]  }
0x76: {  	v1 =	vld [tilespmem:s23+$0x0];
	_ =	sdelay $0x4  }
0x77: {  	v0 =	vmul.f32 v1, v0;
	_ =	sdelay $0x1  }
0x78: {  	[tilespmem:s25+$0x0] =	vst v0;
	v0 =	vld [tilespmem:s25+$0x10]  }
0x79: {  	v1 =	vld [tilespmem:s23+$0x10];
	_ =	sdelay $0x4  }
0x7a: {  	v0 =	vmul.f32 v1, v0;
	_ =	sdelay $0x1  }
0x7b: {  	[tilespmem:s25+$0x10] =	vst v0;
	v0 =	vld [tilespmem:s25+$0x20]  }
0x7c: {  	v1 =	vld [tilespmem:s23+$0x20];
	_ =	sdelay $0x4  }
0x7d: {  	v0 =	vmul.f32 v1, v0;
	_ =	sdelay $0x1  }
0x7e: {  	[tilespmem:s25+$0x20] =	vst v0;
	v0 =	vld [tilespmem:s25+$0x30]  }
0x7f: {  	v1 =	vld [tilespmem:s23+$0x30];
	_ =	sdelay $0x4  }
0x80: {  	v0 =	vmul.f32 v1, v0;
	_ =	sdelay $0x1  }
0x81: {  	[tilespmem:s25+$0x30] =	vst v0;
	v0 =	vld [tilespmem:s25+$0x40]  }
0x82: {  	v1 =	vld [tilespmem:s23+$0x40];
	_ =	sdelay $0x4  }
0x83: {  	v0 =	vmul.f32 v1, v0;
	_ =	sdelay $0x1  }
0x84: {  	[tilespmem:s25+$0x40] =	vst v0;
	v0 =	vld [tilespmem:s25+$0x50]  }
0x85: {  	v1 =	vld [tilespmem:s23+$0x50];
	_ =	sdelay $0x4  }
0x86: {  	v0 =	vmul.f32 v1, v0;
	_ =	sdelay $0x1  }
0x87: {  	[tilespmem:s25+$0x50] =	vst v0;
	v0 =	vld [tilespmem:s25+$0x60]  }
0x88: {  	v1 =	vld [tilespmem:s23+$0x60];
	_ =	sdelay $0x4  }
0x89: {  	v0 =	vmul.f32 v1, v0;
	_ =	sdelay $0x1  }
0x8a: {  	[tilespmem:s25+$0x60] =	vst v0;
	v0 =	vld [tilespmem:s25+$0x70]  }
0x8b: {  	v1 =	vld [tilespmem:s23+$0x70];
	_ =	sdelay $0x1  }
.Ltmp0:
0x8c: {  	(pc) =	sbr.rel @p0 .LBB2_3-.Ltmp0, $3  }
0x8d: {  	_ =	sdelay $0x1  }
0x8e: {  	v0 =	vmul.f32 v1, v0  }
0x8f: {  	s25 =	sadd.s32 $0x100, s25  }
0x90: {  	s21 =	sadd.s32 $0x1, s21  }
0x91: {  	p0 =	sne.s32 s21, $0x7D  }
.Ltmp1:
0x92: {  	[tilespmem:s22+$0x70] =	vst v0;
	(pc) =	sbr.rel @p0 .LBB2_2-.Ltmp1, $4  }
0x93: {  	[spmem:s4] =	stream.indirect.scatter.add.f32 [tilespmem:s18], [sflag:$0x2], $0x80, s15, s17, $0xb8;
	[tilespmem:$0x19100] =	vst v63  }
0x94: {  	_ =	swait.ge [sflag:s14], $0x2800  }
0x95: {  	[sflag:s14] =	ssyncset.done $0x0  }
0x96: {  	[sflag:s14] =	ssyncadd.s32 $0xFFFFD800  }
0x97: {  	s20 =	sadd.s32 $0x1, s20  }
0x98: {  	p0 =	sne.s32 s20, s12  }
.Ltmp2:
0x99: {  	[bflag:$0x0] =	sbarrier.arrive $0xFFFF;
	(pc) =	sbr.rel @p0 .LBB2_1-.Ltmp2, $4  }
0x9a: {  	[hbm:s11], [sflag:s9] =	dma.local [spmem:s13], $0x2800  }
0x9b: {  	_ =	swait.ge [sflag:s14], $0x2800  }
0x9c: {  	[sflag:s14] =	ssyncset.done $0x0  }
0x9d: {  	[sflag:s14] =	ssyncadd.s32 $0xFFFFD800  }
0x9e: {  	_ =	sfence.sel $0x180000  }
0x9f: {  	[bflag:$0x0] =	sbarrier.arrive $0xFFFF  }
0xa0: {  	p0 =	sne.s32 s2, $0x0;
	_ =	strace $0x90000047  }
0xa1: {  	s0 =	sadd.s32 @!p0 $0x100000, s0;
	[bflag:$0x2] =	sbarrier.arrive $0xFFFF  }
0xa2: {  	[sflag:s0] =	ssyncadd.tile.s32 @!p0 $0x1;
	_ =	shalt  }
.Lfunc_end2:
_tile_overlayer_lowered:
.L_overlay_start_2:
0xa3: {  	(tag) =	ssettag $0x2  }
0xa4: {  	s0 =	rddreg [dreg:$0x0];
	s2 =	stileid.u32  }
0xa5: {  	s1 =	rddreg [dreg:$0x1];
	p0 =	sne.s32 s2, $0x0  }
0xa6: {  	s3 =	rddreg [dreg:$0x2];
	[bflag:$0x3] =	sbarrier.arrive $0xFFFF;
	s2 =	simm.s32 @!p0 $0x1C02  }
0xa7: {  	[timem:s3], [sflag:s2] =	dma.local @!p0 [hbm:s0], s1  }
0xa8: {  	s0 =	simm.s32 @!p0 $0x2  }
0xa9: {  	_ =	swait.ge @!p0 [sflag:s0], s1  }
0xaa: {  	s1 =	ssub.s32 @!p0 $0x0, s1;
	[sflag:s0] =	ssyncset.done @!p0 $0x0  }
0xab: {  	[sflag:s0] =	ssyncadd.s32 @!p0 s1  }
0xac: {  	[bflag:$0x3] =	sbarrier.arrive $0xFFFF  }
0xad: {  	_ =	shalt  }

</sc_bundles>
